<compile_context>
chip_gen: v7x
topology: tpu7x:2x2x1
jax: 0.10.2.dev20260603
libtpu: 0.0.44.dev20260713+nightly
codegen_flags: <defaults>
</compile_context>

<pallas_src>
import functools

import jax
import jax.numpy as jnp
from jax import lax
from jax.experimental import pallas as pl
from jax.experimental.pallas import tpu as pltpu
from jax.experimental.pallas import tpu_sc as plsc

_B = 4096
_HB = _B
_D = 128
_H1 = 1024
_H2 = 512
_H3 = 128
_BB = 2048
_PK = 40


def _sc_gather(uid, zid, utab, ztab):
    info = plsc.get_sparse_core_info()
    nc, ns = info.num_cores, info.num_subcores
    nw = nc * ns
    bpw = _HB // nw

    mesh = plsc.VectorSubcoreMesh(core_axis_name="c", subcore_axis_name="s")
    out_t = jax.ShapeDtypeStruct((_HB, 2 * _D), jnp.float32)
    scratch = (
        [pltpu.VMEM((bpw,), jnp.int32) for _ in range(2)]
        + [pltpu.VMEM((bpw, _D), jnp.float32) for _ in range(2)]
        + [pltpu.SemaphoreType.DMA, pltpu.SemaphoreType.DMA]
    )

    nch = 4
    ch = bpw // nch

    @functools.partial(pl.kernel, mesh=mesh, out_type=out_t,
                       scratch_types=scratch)
    def gather(uid_h, zid_h, utab_h, ztab_h, o_h,
               ui_v, zi_v, ur_v, zr_v, sem, wsem):
        wid = lax.axis_index("s") * nc + lax.axis_index("c")
        base = wid * bpw
        sl = pl.ds(base, bpw)
        iu = pltpu.async_copy(uid_h.at[sl], ui_v, sem)
        iz = pltpu.async_copy(zid_h.at[sl], zi_v, sem)
        iu.wait()
        iz.wait()
        gs = []
        for c in range(nch):
            cs = pl.ds(c * ch, ch)
            gs.append(pltpu.async_copy(utab_h.at[ui_v.at[cs]], ur_v.at[cs],
                                       sem))
            gs.append(pltpu.async_copy(ztab_h.at[zi_v.at[cs]], zr_v.at[cs],
                                       sem))
        ws = []
        for c in range(nch):
            osl = pl.ds(base + c * ch, ch)
            cs = pl.ds(c * ch, ch)
            gs[2 * c].wait()
            ws.append(pltpu.async_copy(ur_v.at[cs],
                                       o_h.at[osl, pl.ds(0, _D)], wsem))
            gs[2 * c + 1].wait()
            ws.append(pltpu.async_copy(zr_v.at[cs],
                                       o_h.at[osl, pl.ds(_D, _D)], wsem))
        for w in ws:
            w.wait()

    return gather(uid, zid, utab, ztab)


def _mlp_body(uz, g, a, o, gt, at, ot, w1u, w1m, w1z, b1, w2, b2, w3, b3,
              out, w1s):
    bf = jnp.bfloat16

    @pl.when(pl.program_id(0) == 0)
    def _prep():
        w1s[0:2 * _D, :] = jnp.concatenate([w1u[...], w1z[...]], axis=0)
        w1s[2 * _D:, :] = jnp.zeros((_PK, _H1), dtype=bf)
        w1s[2 * _D:2 * _D + 2, :] = jnp.dot(
            gt[...].astype(bf), w1m[0:_D, :],
            preferred_element_type=jnp.float32).astype(bf)
        w1s[2 * _D + 8:2 * _D + 15, :] = jnp.dot(
            at[...].astype(bf), w1m[_D:2 * _D, :],
            preferred_element_type=jnp.float32).astype(bf)
        w1s[2 * _D + 16:2 * _D + 37, :] = jnp.dot(
            ot[...].astype(bf), w1m[2 * _D:3 * _D, :],
            preferred_element_type=jnp.float32).astype(bf)
        w1s[2 * _D + 37:2 * _D + 38, :] = b1[...].astype(bf)

    gi = g[0, 0, :]
    ai = a[0, 0, :]
    oi = o[0, 0, :]
    i40 = lax.broadcasted_iota(jnp.int32, (_BB, _PK), 1)
    coh = ((gi[:, None] == i40) | (ai[:, None] + 8 == i40)
           | (oi[:, None] + 16 == i40) | (i40 == 37)).astype(bf)
    x2 = jnp.concatenate([uz[...].astype(bf), coh], axis=1)
    h = jnp.dot(x2, w1s[...], preferred_element_type=jnp.float32)
    h = jnp.maximum(h, 0.0).astype(bf)
    h = jnp.dot(h, w2[...], preferred_element_type=jnp.float32) + b2[...]
    h = jnp.maximum(h, 0.0).astype(bf)
    h = jnp.dot(h, w3[...], preferred_element_type=jnp.float32) + b3[...]
    h = jnp.maximum(h, 0.0)
    ss = jnp.sum(h * h, axis=1, keepdims=True)
    out[...] = h * lax.rsqrt(jnp.maximum(ss, 1e-24))


def _mlp(uz, gid, aid, oid, gtab, atab, otab, w1, b1, w2, b2, w3, b3):
    nblk = _HB // _BB
    bf = jnp.bfloat16
    const = lambda i: (0, 0)
    w1b = w1.astype(bf)
    return pl.pallas_call(
        _mlp_body,
        grid=(nblk,),
        in_specs=[
            pl.BlockSpec((_BB, 2 * _D), lambda i: (i, 0)),
            pl.BlockSpec((1, 1, _BB), lambda i: (i, 0, 0)),
            pl.BlockSpec((1, 1, _BB), lambda i: (i, 0, 0)),
            pl.BlockSpec((1, 1, _BB), lambda i: (i, 0, 0)),
            pl.BlockSpec((2, _D), const),
            pl.BlockSpec((7, _D), const),
            pl.BlockSpec((21, _D), const),
            pl.BlockSpec((_D, _H1), const),
            pl.BlockSpec((3 * _D, _H1), const),
            pl.BlockSpec((_D, _H1), const),
            pl.BlockSpec((1, _H1), const),
            pl.BlockSpec((_H1, _H2), const),
            pl.BlockSpec((1, _H2), const),
            pl.BlockSpec((_H2, _H3), const),
            pl.BlockSpec((1, _H3), const),
        ],
        out_specs=pl.BlockSpec((_BB, _D), lambda i: (i, 0)),
        out_shape=jax.ShapeDtypeStruct((_HB, _D), jnp.float32),
        scratch_shapes=[
            pltpu.VMEM((2 * _D + _PK, _H1), jnp.bfloat16),
        ],
    )(uz, gid.reshape(nblk, 1, _BB), aid.reshape(nblk, 1, _BB),
      oid.reshape(nblk, 1, _BB), gtab, atab, otab,
      w1b[0:_D], w1b[_D:4 * _D], w1b[4 * _D:5 * _D], b1.reshape(1, _H1),
      w2.astype(bf), b2.reshape(1, _H2), w3.astype(bf), b3.reshape(1, _H3))


def kernel(user_id, gender, age, occupation, zip_id, user_tab, gender_tab,
           age_tab, occ_tab, zip_tab, W1, b1, W2, b2, W3, b3):
    uid = user_id.astype(jnp.int32)
    gid = gender.astype(jnp.int32)
    aid = age.astype(jnp.int32)
    oid = occupation.astype(jnp.int32)
    zid = zip_id.astype(jnp.int32)
    uz = _sc_gather(uid, zid, user_tab, zip_tab)
    return _mlp(uz, gid, aid, oid, gender_tab, age_tab, occ_tab,
                W1, b1, W2, b2, W3, b3)

# --- scband reference (transcript-rebuilt; emitter-appended) ---
"""Pipeline reference for scband-structure-user-tower-44830868636101 (READ-ONLY COPY).

The authoritative reference and input builder live on the scoring server;
editing this copy changes nothing except your own understanding.
"""

import jax, jax.numpy as jnp
import numpy as np

B = 4096
D = 128
NU = 100000
NG = 2
NA = 7
NO = 21
NZ = 10000
HID = [1024, 512, 128]


def setup_inputs(seed: int = 0) -> dict:
    key = jax.random.key(seed)
    ks = jax.random.split(key, 20)
    inp = {}
    inp['user_id'] = jax.random.randint(ks[0], (B,), 0, NU)
    inp['gender'] = jax.random.randint(ks[1], (B,), 0, NG)
    inp['age'] = jax.random.randint(ks[2], (B,), 0, NA)
    inp['occupation'] = jax.random.randint(ks[3], (B,), 0, NO)
    inp['zip_id'] = jax.random.randint(ks[4], (B,), 0, NZ)
    inp['user_tab'] = jax.random.normal(ks[5], (NU, D), dtype=jnp.float32) * 0.02
    inp['gender_tab'] = jax.random.normal(ks[6], (NG, D), dtype=jnp.float32) * 0.02
    inp['age_tab'] = jax.random.normal(ks[7], (NA, D), dtype=jnp.float32) * 0.02
    inp['occ_tab'] = jax.random.normal(ks[8], (NO, D), dtype=jnp.float32) * 0.02
    inp['zip_tab'] = jax.random.normal(ks[9], (NZ, D), dtype=jnp.float32) * 0.02
    dims = [5 * D] + HID
    for i in range(3):
        fan_in = dims[i]
        bound = 1.0 / np.sqrt(fan_in)
        inp['W%d' % (i + 1)] = jax.random.uniform(ks[10 + 2 * i], (dims[i], dims[i + 1]), dtype=jnp.float32, minval=-bound, maxval=bound)
        inp['b%d' % (i + 1)] = jax.random.uniform(ks[11 + 2 * i], (dims[i + 1],), dtype=jnp.float32, minval=-bound, maxval=bound)
    return inp


def reference(user_id, gender, age, occupation, zip_id, user_tab, gender_tab, age_tab, occ_tab, zip_tab, W1, b1, W2, b2, W3, b3):
    x = jnp.concatenate([
        jnp.take(user_tab, user_id, axis=0),
        jnp.take(gender_tab, gender, axis=0),
        jnp.take(age_tab, age, axis=0),
        jnp.take(occ_tab, occupation, axis=0),
        jnp.take(zip_tab, zip_id, axis=0),
    ], axis=1)
    h = jax.nn.relu(x @ W1 + b1)
    h = jax.nn.relu(h @ W2 + b2)
    h = jax.nn.relu(h @ W3 + b3)
    norm = jnp.maximum(jnp.linalg.norm(h, ord=2, axis=1, keepdims=True), 1e-12)
    return h / norm

if __name__ == "__main__":
    import jax
    _d = setup_inputs()
    print(jax.jit(kernel)(*tuple(_d.values())))

</pallas_src>

<mosaic_0001>
#map = affine_map<(d0, d1) -> (0)>
#map1 = affine_map<(d0, d1) -> (0, 0)>
module attributes {stable_mosaic.version = 14 : i64} {
  func.func @gather(%arg0: i32, %arg1: i32, %arg2: memref<4096xi32, #tpu.memory_space<hbm>>, %arg3: memref<4096xi32, #tpu.memory_space<hbm>>, %arg4: memref<100000x128xf32, #tpu.memory_space<hbm>>, %arg5: memref<10000x128xf32, #tpu.memory_space<hbm>>, %arg6: memref<4096x256xf32, #tpu.memory_space<hbm>>, %arg7: memref<128xi32, #tpu.memory_space<vmem>>, %arg8: memref<128xi32, #tpu.memory_space<vmem>>, %arg9: memref<128x128xf32, #tpu.memory_space<vmem>>, %arg10: memref<128x128xf32, #tpu.memory_space<vmem>>, %arg11: memref<!tpu.dma_semaphore, #tpu.memory_space<semaphore_mem>>, %arg12: memref<!tpu.dma_semaphore, #tpu.memory_space<semaphore_mem>>) attributes {dimension_semantics = [#tpu.dimension_semantics<core_parallel>, #tpu.dimension_semantics<subcore_parallel>], iteration_bounds = array<i64: 2, 16>, scalar_prefetch = 0 : i64, scratch_operands = 6 : i64, tpu.core_type = #tpu.core_type<sc_vector_subcore>, window_params = [{transform_indices = #map}, {transform_indices = #map}, {transform_indices = #map1}, {transform_indices = #map1}, {transform_indices = #map1}]} {
    %mul3A = arith.constant 2 : i32
    %mul3A_0 = arith.muli %arg1, %mul3A : i32
    %add3A = arith.addi %mul3A_0, %arg0 : i32
    %mul3A_1 = arith.constant 128 : i32
    %mul3A_2 = arith.muli %add3A, %mul3A_1 : i32
    %dma_start3A = tpu.memref_slice %arg2[%mul3A_2] : memref<4096xi32, #tpu.memory_space<hbm>> -> memref<128xi32, #tpu.memory_space<hbm>>
    %dma_start3A_3 = tpu.memref_slice %arg2[%mul3A_2] : memref<4096xi32, #tpu.memory_space<hbm>> -> memref<128xi32, #tpu.memory_space<hbm>>
    tpu.enqueue_dma source(%dma_start3A_3 : memref<128xi32, #tpu.memory_space<hbm>>) target(%arg7 : memref<128xi32, #tpu.memory_space<vmem>>) target_semaphore(%arg11 : memref<!tpu.dma_semaphore, #tpu.memory_space<semaphore_mem>>)
    %dma_start3A_4 = tpu.memref_slice %arg3[%mul3A_2] : memref<4096xi32, #tpu.memory_space<hbm>> -> memref<128xi32, #tpu.memory_space<hbm>>
    %dma_start3A_5 = tpu.memref_slice %arg3[%mul3A_2] : memref<4096xi32, #tpu.memory_space<hbm>> -> memref<128xi32, #tpu.memory_space<hbm>>
    tpu.enqueue_dma source(%dma_start3A_5 : memref<128xi32, #tpu.memory_space<hbm>>) target(%arg8 : memref<128xi32, #tpu.memory_space<vmem>>) target_semaphore(%arg11 : memref<!tpu.dma_semaphore, #tpu.memory_space<semaphore_mem>>)
    %dma_wait3A = tpu.memref_slice %arg2[%mul3A_2] : memref<4096xi32, #tpu.memory_space<hbm>> -> memref<128xi32, #tpu.memory_space<hbm>>
    %dma_wait3A_6 = tpu.memref_slice %arg2[%mul3A_2] : memref<4096xi32, #tpu.memory_space<hbm>> -> memref<128xi32, #tpu.memory_space<hbm>>
    tpu.wait_dma2 semaphore(%arg11 : memref<!tpu.dma_semaphore, #tpu.memory_space<semaphore_mem>>) src(%dma_wait3A_6 : memref<128xi32, #tpu.memory_space<hbm>>) dst(%arg7 : memref<128xi32, #tpu.memory_space<vmem>>)
    %dma_wait3A_7 = tpu.memref_slice %arg3[%mul3A_2] : memref<4096xi32, #tpu.memory_space<hbm>> -> memref<128xi32, #tpu.memory_space<hbm>>
    %dma_wait3A_8 = tpu.memref_slice %arg3[%mul3A_2] : memref<4096xi32, #tpu.memory_space<hbm>> -> memref<128xi32, #tpu.memory_space<hbm>>
    tpu.wait_dma2 semaphore(%arg11 : memref<!tpu.dma_semaphore, #tpu.memory_space<semaphore_mem>>) src(%dma_wait3A_8 : memref<128xi32, #tpu.memory_space<hbm>>) dst(%arg8 : memref<128xi32, #tpu.memory_space<vmem>>)
    %dma_start3A_9 = arith.constant 0 : i32
    %dma_start3A_10 = arith.constant 0 : i32
    %dma_start3A_11 = tpu.memref_slice %arg9[%dma_start3A_9, %dma_start3A_10] : memref<128x128xf32, #tpu.memory_space<vmem>> -> memref<32x128xf32, #tpu.memory_space<vmem>>
    %dma_start3A_12 = arith.constant 0 : i32
    %dma_start3A_13 = tpu.memref_slice %arg7[%dma_start3A_12] : memref<128xi32, #tpu.memory_space<vmem>> -> memref<32xi32, #tpu.memory_space<vmem>>
    %dma_start3A_14 = arith.constant 0 : i32
    %dma_start3A_15 = arith.constant 0 : i32
    %dma_start3A_16 = tpu.memref_slice %arg4[%dma_start3A_14, %dma_start3A_15] : memref<100000x128xf32, #tpu.memory_space<hbm>> -> memref<100000x128xf32, #tpu.memory_space<hbm>>
    tpu.enqueue_indirect_dma source(%dma_start3A_16 : memref<100000x128xf32, #tpu.memory_space<hbm>>) target(%dma_start3A_11 : memref<32x128xf32, #tpu.memory_space<vmem>>) offsets(%dma_start3A_13 : memref<32xi32, #tpu.memory_space<vmem>>) semaphore(%arg11 : memref<!tpu.dma_semaphore, #tpu.memory_space<semaphore_mem>>)
    %dma_start3A_17 = arith.constant 0 : i32
    %dma_start3A_18 = arith.constant 0 : i32
    %dma_start3A_19 = tpu.memref_slice %arg10[%dma_start3A_17, %dma_start3A_18] : memref<128x128xf32, #tpu.memory_space<vmem>> -> memref<32x128xf32, #tpu.memory_space<vmem>>
    %dma_start3A_20 = arith.constant 0 : i32
    %dma_start3A_21 = tpu.memref_slice %arg8[%dma_start3A_20] : memref<128xi32, #tpu.memory_space<vmem>> -> memref<32xi32, #tpu.memory_space<vmem>>
    %dma_start3A_22 = arith.constant 0 : i32
    %dma_start3A_23 = arith.constant 0 : i32
    %dma_start3A_24 = tpu.memref_slice %arg5[%dma_start3A_22, %dma_start3A_23] : memref<10000x128xf32, #tpu.memory_space<hbm>> -> memref<10000x128xf32, #tpu.memory_space<hbm>>
    tpu.enqueue_indirect_dma source(%dma_start3A_24 : memref<10000x128xf32, #tpu.memory_space<hbm>>) target(%dma_start3A_19 : memref<32x128xf32, #tpu.memory_space<vmem>>) offsets(%dma_start3A_21 : memref<32xi32, #tpu.memory_space<vmem>>) semaphore(%arg11 : memref<!tpu.dma_semaphore, #tpu.memory_space<semaphore_mem>>)
    %dma_start3A_25 = arith.constant 32 : i32
    %dma_start3A_26 = arith.constant 0 : i32
    %dma_start3A_27 = tpu.memref_slice %arg9[%dma_start3A_25, %dma_start3A_26] : memref<128x128xf32, #tpu.memory_space<vmem>> -> memref<32x128xf32, #tpu.memory_space<vmem>>
    %dma_start3A_28 = arith.constant 32 : i32
    %dma_start3A_29 = tpu.memref_slice %arg7[%dma_start3A_28] : memref<128xi32, #tpu.memory_space<vmem>> -> memref<32xi32, #tpu.memory_space<vmem>>
    %dma_start3A_30 = arith.constant 0 : i32
    %dma_start3A_31 = arith.constant 0 : i32
    %dma_start3A_32 = tpu.memref_slice %arg4[%dma_start3A_30, %dma_start3A_31] : memref<100000x128xf32, #tpu.memory_space<hbm>> -> memref<100000x128xf32, #tpu.memory_space<hbm>>
    tpu.enqueue_indirect_dma source(%dma_start3A_32 : memref<100000x128xf32, #tpu.memory_space<hbm>>) target(%dma_start3A_27 : memref<32x128xf32, #tpu.memory_space<vmem>>) offsets(%dma_start3A_29 : memref<32xi32, #tpu.memory_space<vmem>>) semaphore(%arg11 : memref<!tpu.dma_semaphore, #tpu.memory_space<semaphore_mem>>)
    %dma_start3A_33 = arith.constant 32 : i32
    %dma_start3A_34 = arith.constant 0 : i32
    %dma_start3A_35 = tpu.memref_slice %arg10[%dma_start3A_33, %dma_start3A_34] : memref<128x128xf32, #tpu.memory_space<vmem>> -> memref<32x128xf32, #tpu.memory_space<vmem>>
    %dma_start3A_36 = arith.constant 32 : i32
    %dma_start3A_37 = tpu.memref_slice %arg8[%dma_start3A_36] : memref<128xi32, #tpu.memory_space<vmem>> -> memref<32xi32, #tpu.memory_space<vmem>>
    %dma_start3A_38 = arith.constant 0 : i32
    %dma_start3A_39 = arith.constant 0 : i32
    %dma_start3A_40 = tpu.memref_slice %arg5[%dma_start3A_38, %dma_start3A_39] : memref<10000x128xf32, #tpu.memory_space<hbm>> -> memref<10000x128xf32, #tpu.memory_space<hbm>>
    tpu.enqueue_indirect_dma source(%dma_start3A_40 : memref<10000x128xf32, #tpu.memory_space<hbm>>) target(%dma_start3A_35 : memref<32x128xf32, #tpu.memory_space<vmem>>) offsets(%dma_start3A_37 : memref<32xi32, #tpu.memory_space<vmem>>) semaphore(%arg11 : memref<!tpu.dma_semaphore, #tpu.memory_space<semaphore_mem>>)
    %dma_start3A_41 = arith.constant 64 : i32
    %dma_start3A_42 = arith.constant 0 : i32
    %dma_start3A_43 = tpu.memref_slice %arg9[%dma_start3A_41, %dma_start3A_42] : memref<128x128xf32, #tpu.memory_space<vmem>> -> memref<32x128xf32, #tpu.memory_space<vmem>>
    %dma_start3A_44 = arith.constant 64 : i32
    %dma_start3A_45 = tpu.memref_slice %arg7[%dma_start3A_44] : memref<128xi32, #tpu.memory_space<vmem>> -> memref<32xi32, #tpu.memory_space<vmem>>
    %dma_start3A_46 = arith.constant 0 : i32
    %dma_start3A_47 = arith.constant 0 : i32
    %dma_start3A_48 = tpu.memref_slice %arg4[%dma_start3A_46, %dma_start3A_47] : memref<100000x128xf32, #tpu.memory_space<hbm>> -> memref<100000x128xf32, #tpu.memory_space<hbm>>
    tpu.enqueue_indirect_dma source(%dma_start3A_48 : memref<100000x128xf32, #tpu.memory_space<hbm>>) target(%dma_start3A_43 : memref<32x128xf32, #tpu.memory_space<vmem>>) offsets(%dma_start3A_45 : memref<32xi32, #tpu.memory_space<vmem>>) semaphore(%arg11 : memref<!tpu.dma_semaphore, #tpu.memory_space<semaphore_mem>>)
    %dma_start3A_49 = arith.constant 64 : i32
    %dma_start3A_50 = arith.constant 0 : i32
    %dma_start3A_51 = tpu.memref_slice %arg10[%dma_start3A_49, %dma_start3A_50] : memref<128x128xf32, #tpu.memory_space<vmem>> -> memref<32x128xf32, #tpu.memory_space<vmem>>
    %dma_start3A_52 = arith.constant 64 : i32
    %dma_start3A_53 = tpu.memref_slice %arg8[%dma_start3A_52] : memref<128xi32, #tpu.memory_space<vmem>> -> memref<32xi32, #tpu.memory_space<vmem>>
    %dma_start3A_54 = arith.constant 0 : i32
    %dma_start3A_55 = arith.constant 0 : i32
    %dma_start3A_56 = tpu.memref_slice %arg5[%dma_start3A_54, %dma_start3A_55] : memref<10000x128xf32, #tpu.memory_space<hbm>> -> memref<10000x128xf32, #tpu.memory_space<hbm>>
    tpu.enqueue_indirect_dma source(%dma_start3A_56 : memref<10000x128xf32, #tpu.memory_space<hbm>>) target(%dma_start3A_51 : memref<32x128xf32, #tpu.memory_space<vmem>>) offsets(%dma_start3A_53 : memref<32xi32, #tpu.memory_space<vmem>>) semaphore(%arg11 : memref<!tpu.dma_semaphore, #tpu.memory_space<semaphore_mem>>)
    %dma_start3A_57 = arith.constant 96 : i32
    %dma_start3A_58 = arith.constant 0 : i32
    %dma_start3A_59 = tpu.memref_slice %arg9[%dma_start3A_57, %dma_start3A_58] : memref<128x128xf32, #tpu.memory_space<vmem>> -> memref<32x128xf32, #tpu.memory_space<vmem>>
    %dma_start3A_60 = arith.constant 96 : i32
    %dma_start3A_61 = tpu.memref_slice %arg7[%dma_start3A_60] : memref<128xi32, #tpu.memory_space<vmem>> -> memref<32xi32, #tpu.memory_space<vmem>>
    %dma_start3A_62 = arith.constant 0 : i32
    %dma_start3A_63 = arith.constant 0 : i32
    %dma_start3A_64 = tpu.memref_slice %arg4[%dma_start3A_62, %dma_start3A_63] : memref<100000x128xf32, #tpu.memory_space<hbm>> -> memref<100000x128xf32, #tpu.memory_space<hbm>>
    tpu.enqueue_indirect_dma source(%dma_start3A_64 : memref<100000x128xf32, #tpu.memory_space<hbm>>) target(%dma_start3A_59 : memref<32x128xf32, #tpu.memory_space<vmem>>) offsets(%dma_start3A_61 : memref<32xi32, #tpu.memory_space<vmem>>) semaphore(%arg11 : memref<!tpu.dma_semaphore, #tpu.memory_space<semaphore_mem>>)
    %dma_start3A_65 = arith.constant 96 : i32
    %dma_start3A_66 = arith.constant 0 : i32
    %dma_start3A_67 = tpu.memref_slice %arg10[%dma_start3A_65, %dma_start3A_66] : memref<128x128xf32, #tpu.memory_space<vmem>> -> memref<32x128xf32, #tpu.memory_space<vmem>>
    %dma_start3A_68 = arith.constant 96 : i32
    %dma_start3A_69 = tpu.memref_slice %arg8[%dma_start3A_68] : memref<128xi32, #tpu.memory_space<vmem>> -> memref<32xi32, #tpu.memory_space<vmem>>
    %dma_start3A_70 = arith.constant 0 : i32
    %dma_start3A_71 = arith.constant 0 : i32
    %dma_start3A_72 = tpu.memref_slice %arg5[%dma_start3A_70, %dma_start3A_71] : memref<10000x128xf32, #tpu.memory_space<hbm>> -> memref<10000x128xf32, #tpu.memory_space<hbm>>
    tpu.enqueue_indirect_dma source(%dma_start3A_72 : memref<10000x128xf32, #tpu.memory_space<hbm>>) target(%dma_start3A_67 : memref<32x128xf32, #tpu.memory_space<vmem>>) offsets(%dma_start3A_69 : memref<32xi32, #tpu.memory_space<vmem>>) semaphore(%arg11 : memref<!tpu.dma_semaphore, #tpu.memory_space<semaphore_mem>>)
    %add3A_73 = arith.constant 0 : i32
    %add3A_74 = arith.addi %mul3A_2, %add3A_73 : i32
    %dma_wait3A_75 = arith.constant 0 : i32
    %dma_wait3A_76 = arith.constant 0 : i32
    %dma_wait3A_77 = tpu.memref_slice %arg9[%dma_wait3A_75, %dma_wait3A_76] : memref<128x128xf32, #tpu.memory_space<vmem>> -> memref<32x128xf32, #tpu.memory_space<vmem>>
    %dma_wait3A_78 = arith.constant 0 : i32
    %dma_wait3A_79 = tpu.memref_slice %arg7[%dma_wait3A_78] : memref<128xi32, #tpu.memory_space<vmem>> -> memref<32xi32, #tpu.memory_space<vmem>>
    %dma_wait3A_80 = arith.constant 0 : i32
    %dma_wait3A_81 = arith.constant 0 : i32
    %dma_wait3A_82 = tpu.memref_slice %arg4[%dma_wait3A_80, %dma_wait3A_81] : memref<100000x128xf32, #tpu.memory_space<hbm>> -> memref<100000x128xf32, #tpu.memory_space<hbm>>
    tpu.wait_indirect_dma semaphore(%arg11 : memref<!tpu.dma_semaphore, #tpu.memory_space<semaphore_mem>>) src(%dma_wait3A_82 : memref<100000x128xf32, #tpu.memory_space<hbm>>) dst(%dma_wait3A_77 : memref<32x128xf32, #tpu.memory_space<vmem>>)
    %dma_start3A_83 = arith.constant 0 : i32
    %dma_start3A_84 = arith.constant 0 : i32
    %dma_start3A_85 = tpu.memref_slice %arg9[%dma_start3A_83, %dma_start3A_84] : memref<128x128xf32, #tpu.memory_space<vmem>> -> memref<32x128xf32, #tpu.memory_space<vmem>>
    %dma_start3A_86 = arith.constant 0 : i32
    %dma_start3A_87 = tpu.memref_slice %arg6[%add3A_74, %dma_start3A_86] : memref<4096x256xf32, #tpu.memory_space<hbm>> -> memref<32x128xf32, #tpu.memory_space<hbm>>
    %dma_start3A_88 = arith.constant 0 : i32
    %dma_start3A_89 = tpu.memref_slice %arg6[%add3A_74, %dma_start3A_88] : memref<4096x256xf32, #tpu.memory_space<hbm>> -> memref<32x128xf32, #tpu.memory_space<hbm>>
    %dma_start3A_90 = arith.constant 0 : i32
    %dma_start3A_91 = arith.constant 0 : i32
    %dma_start3A_92 = tpu.memref_slice %arg9[%dma_start3A_90, %dma_start3A_91] : memref<128x128xf32, #tpu.memory_space<vmem>> -> memref<32x128xf32, #tpu.memory_space<vmem>>
    tpu.enqueue_dma source(%dma_start3A_92 : memref<32x128xf32, #tpu.memory_space<vmem>>) target(%dma_start3A_89 : memref<32x128xf32, #tpu.memory_space<hbm>>) target_semaphore(%arg12 : memref<!tpu.dma_semaphore, #tpu.memory_space<semaphore_mem>>)
    %dma_wait3A_93 = arith.constant 0 : i32
    %dma_wait3A_94 = arith.constant 0 : i32
    %dma_wait3A_95 = tpu.memref_slice %arg10[%dma_wait3A_93, %dma_wait3A_94] : memref<128x128xf32, #tpu.memory_space<vmem>> -> memref<32x128xf32, #tpu.memory_space<vmem>>
    %dma_wait3A_96 = arith.constant 0 : i32
    %dma_wait3A_97 = tpu.memref_slice %arg8[%dma_wait3A_96] : memref<128xi32, #tpu.memory_space<vmem>> -> memref<32xi32, #tpu.memory_space<vmem>>
    %dma_wait3A_98 = arith.constant 0 : i32
    %dma_wait3A_99 = arith.constant 0 : i32
    %dma_wait3A_100 = tpu.memref_slice %arg5[%dma_wait3A_98, %dma_wait3A_99] : memref<10000x128xf32, #tpu.memory_space<hbm>> -> memref<10000x128xf32, #tpu.memory_space<hbm>>
    tpu.wait_indirect_dma semaphore(%arg11 : memref<!tpu.dma_semaphore, #tpu.memory_space<semaphore_mem>>) src(%dma_wait3A_100 : memref<10000x128xf32, #tpu.memory_space<hbm>>) dst(%dma_wait3A_95 : memref<32x128xf32, #tpu.memory_space<vmem>>)
    %dma_start3A_101 = arith.constant 0 : i32
    %dma_start3A_102 = arith.constant 0 : i32
    %dma_start3A_103 = tpu.memref_slice %arg10[%dma_start3A_101, %dma_start3A_102] : memref<128x128xf32, #tpu.memory_space<vmem>> -> memref<32x128xf32, #tpu.memory_space<vmem>>
    %dma_start3A_104 = arith.constant 128 : i32
    %dma_start3A_105 = tpu.memref_slice %arg6[%add3A_74, %dma_start3A_104] : memref<4096x256xf32, #tpu.memory_space<hbm>> -> memref<32x128xf32, #tpu.memory_space<hbm>>
    %dma_start3A_106 = arith.constant 128 : i32
    %dma_start3A_107 = tpu.memref_slice %arg6[%add3A_74, %dma_start3A_106] : memref<4096x256xf32, #tpu.memory_space<hbm>> -> memref<32x128xf32, #tpu.memory_space<hbm>>
    %dma_start3A_108 = arith.constant 0 : i32
    %dma_start3A_109 = arith.constant 0 : i32
    %dma_start3A_110 = tpu.memref_slice %arg10[%dma_start3A_108, %dma_start3A_109] : memref<128x128xf32, #tpu.memory_space<vmem>> -> memref<32x128xf32, #tpu.memory_space<vmem>>
    tpu.enqueue_dma source(%dma_start3A_110 : memref<32x128xf32, #tpu.memory_space<vmem>>) target(%dma_start3A_107 : memref<32x128xf32, #tpu.memory_space<hbm>>) target_semaphore(%arg12 : memref<!tpu.dma_semaphore, #tpu.memory_space<semaphore_mem>>)
    %add3A_111 = arith.constant 32 : i32
    %add3A_112 = arith.addi %mul3A_2, %add3A_111 : i32
    %dma_wait3A_113 = arith.constant 32 : i32
    %dma_wait3A_114 = arith.constant 0 : i32
    %dma_wait3A_115 = tpu.memref_slice %arg9[%dma_wait3A_113, %dma_wait3A_114] : memref<128x128xf32, #tpu.memory_space<vmem>> -> memref<32x128xf32, #tpu.memory_space<vmem>>
    %dma_wait3A_116 = arith.constant 32 : i32
    %dma_wait3A_117 = tpu.memref_slice %arg7[%dma_wait3A_116] : memref<128xi32, #tpu.memory_space<vmem>> -> memref<32xi32, #tpu.memory_space<vmem>>
    %dma_wait3A_118 = arith.constant 0 : i32
    %dma_wait3A_119 = arith.constant 0 : i32
    %dma_wait3A_120 = tpu.memref_slice %arg4[%dma_wait3A_118, %dma_wait3A_119] : memref<100000x128xf32, #tpu.memory_space<hbm>> -> memref<100000x128xf32, #tpu.memory_space<hbm>>
    tpu.wait_indirect_dma semaphore(%arg11 : memref<!tpu.dma_semaphore, #tpu.memory_space<semaphore_mem>>) src(%dma_wait3A_120 : memref<100000x128xf32, #tpu.memory_space<hbm>>) dst(%dma_wait3A_115 : memref<32x128xf32, #tpu.memory_space<vmem>>)
    %dma_start3A_121 = arith.constant 32 : i32
    %dma_start3A_122 = arith.constant 0 : i32
    %dma_start3A_123 = tpu.memref_slice %arg9[%dma_start3A_121, %dma_start3A_122] : memref<128x128xf32, #tpu.memory_space<vmem>> -> memref<32x128xf32, #tpu.memory_space<vmem>>
    %dma_start3A_124 = arith.constant 0 : i32
    %dma_start3A_125 = tpu.memref_slice %arg6[%add3A_112, %dma_start3A_124] : memref<4096x256xf32, #tpu.memory_space<hbm>> -> memref<32x128xf32, #tpu.memory_space<hbm>>
    %dma_start3A_126 = arith.constant 0 : i32
    %dma_start3A_127 = tpu.memref_slice %arg6[%add3A_112, %dma_start3A_126] : memref<4096x256xf32, #tpu.memory_space<hbm>> -> memref<32x128xf32, #tpu.memory_space<hbm>>
    %dma_start3A_128 = arith.constant 32 : i32
    %dma_start3A_129 = arith.constant 0 : i32
    %dma_start3A_130 = tpu.memref_slice %arg9[%dma_start3A_128, %dma_start3A_129] : memref<128x128xf32, #tpu.memory_space<vmem>> -> memref<32x128xf32, #tpu.memory_space<vmem>>
    tpu.enqueue_dma source(%dma_start3A_130 : memref<32x128xf32, #tpu.memory_space<vmem>>) target(%dma_start3A_127 : memref<32x128xf32, #tpu.memory_space<hbm>>) target_semaphore(%arg12 : memref<!tpu.dma_semaphore, #tpu.memory_space<semaphore_mem>>)
    %dma_wait3A_131 = arith.constant 32 : i32
    %dma_wait3A_132 = arith.constant 0 : i32
    %dma_wait3A_133 = tpu.memref_slice %arg10[%dma_wait3A_131, %dma_wait3A_132] : memref<128x128xf32, #tpu.memory_space<vmem>> -> memref<32x128xf32, #tpu.memory_space<vmem>>
    %dma_wait3A_134 = arith.constant 32 : i32
    %dma_wait3A_135 = tpu.memref_slice %arg8[%dma_wait3A_134] : memref<128xi32, #tpu.memory_space<vmem>> -> memref<32xi32, #tpu.memory_space<vmem>>
    %dma_wait3A_136 = arith.constant 0 : i32
    %dma_wait3A_137 = arith.constant 0 : i32
    %dma_wait3A_138 = tpu.memref_slice %arg5[%dma_wait3A_136, %dma_wait3A_137] : memref<10000x128xf32, #tpu.memory_space<hbm>> -> memref<10000x128xf32, #tpu.memory_space<hbm>>
    tpu.wait_indirect_dma semaphore(%arg11 : memref<!tpu.dma_semaphore, #tpu.memory_space<semaphore_mem>>) src(%dma_wait3A_138 : memref<10000x128xf32, #tpu.memory_space<hbm>>) dst(%dma_wait3A_133 : memref<32x128xf32, #tpu.memory_space<vmem>>)
    %dma_start3A_139 = arith.constant 32 : i32
    %dma_start3A_140 = arith.constant 0 : i32
    %dma_start3A_141 = tpu.memref_slice %arg10[%dma_start3A_139, %dma_start3A_140] : memref<128x128xf32, #tpu.memory_space<vmem>> -> memref<32x128xf32, #tpu.memory_space<vmem>>
    %dma_start3A_142 = arith.constant 128 : i32
    %dma_start3A_143 = tpu.memref_slice %arg6[%add3A_112, %dma_start3A_142] : memref<4096x256xf32, #tpu.memory_space<hbm>> -> memref<32x128xf32, #tpu.memory_space<hbm>>
    %dma_start3A_144 = arith.constant 128 : i32
    %dma_start3A_145 = tpu.memref_slice %arg6[%add3A_112, %dma_start3A_144] : memref<4096x256xf32, #tpu.memory_space<hbm>> -> memref<32x128xf32, #tpu.memory_space<hbm>>
    %dma_start3A_146 = arith.constant 32 : i32
    %dma_start3A_147 = arith.constant 0 : i32
    %dma_start3A_148 = tpu.memref_slice %arg10[%dma_start3A_146, %dma_start3A_147] : memref<128x128xf32, #tpu.memory_space<vmem>> -> memref<32x128xf32, #tpu.memory_space<vmem>>
    tpu.enqueue_dma source(%dma_start3A_148 : memref<32x128xf32, #tpu.memory_space<vmem>>) target(%dma_start3A_145 : memref<32x128xf32, #tpu.memory_space<hbm>>) target_semaphore(%arg12 : memref<!tpu.dma_semaphore, #tpu.memory_space<semaphore_mem>>)
    %add3A_149 = arith.constant 64 : i32
    %add3A_150 = arith.addi %mul3A_2, %add3A_149 : i32
    %dma_wait3A_151 = arith.constant 64 : i32
    %dma_wait3A_152 = arith.constant 0 : i32
    %dma_wait3A_153 = tpu.memref_slice %arg9[%dma_wait3A_151, %dma_wait3A_152] : memref<128x128xf32, #tpu.memory_space<vmem>> -> memref<32x128xf32, #tpu.memory_space<vmem>>
    %dma_wait3A_154 = arith.constant 64 : i32
    %dma_wait3A_155 = tpu.memref_slice %arg7[%dma_wait3A_154] : memref<128xi32, #tpu.memory_space<vmem>> -> memref<32xi32, #tpu.memory_space<vmem>>
    %dma_wait3A_156 = arith.constant 0 : i32
    %dma_wait3A_157 = arith.constant 0 : i32
    %dma_wait3A_158 = tpu.memref_slice %arg4[%dma_wait3A_156, %dma_wait3A_157] : memref<100000x128xf32, #tpu.memory_space<hbm>> -> memref<100000x128xf32, #tpu.memory_space<hbm>>
    tpu.wait_indirect_dma semaphore(%arg11 : memref<!tpu.dma_semaphore, #tpu.memory_space<semaphore_mem>>) src(%dma_wait3A_158 : memref<100000x128xf32, #tpu.memory_space<hbm>>) dst(%dma_wait3A_153 : memref<32x128xf32, #tpu.memory_space<vmem>>)
    %dma_start3A_159 = arith.constant 64 : i32
    %dma_start3A_160 = arith.constant 0 : i32
    %dma_start3A_161 = tpu.memref_slice %arg9[%dma_start3A_159, %dma_start3A_160] : memref<128x128xf32, #tpu.memory_space<vmem>> -> memref<32x128xf32, #tpu.memory_space<vmem>>
    %dma_start3A_162 = arith.constant 0 : i32
    %dma_start3A_163 = tpu.memref_slice %arg6[%add3A_150, %dma_start3A_162] : memref<4096x256xf32, #tpu.memory_space<hbm>> -> memref<32x128xf32, #tpu.memory_space<hbm>>
    %dma_start3A_164 = arith.constant 0 : i32
    %dma_start3A_165 = tpu.memref_slice %arg6[%add3A_150, %dma_start3A_164] : memref<4096x256xf32, #tpu.memory_space<hbm>> -> memref<32x128xf32, #tpu.memory_space<hbm>>
    %dma_start3A_166 = arith.constant 64 : i32
    %dma_start3A_167 = arith.constant 0 : i32
    %dma_start3A_168 = tpu.memref_slice %arg9[%dma_start3A_166, %dma_start3A_167] : memref<128x128xf32, #tpu.memory_space<vmem>> -> memref<32x128xf32, #tpu.memory_space<vmem>>
    tpu.enqueue_dma source(%dma_start3A_168 : memref<32x128xf32, #tpu.memory_space<vmem>>) target(%dma_start3A_165 : memref<32x128xf32, #tpu.memory_space<hbm>>) target_semaphore(%arg12 : memref<!tpu.dma_semaphore, #tpu.memory_space<semaphore_mem>>)
    %dma_wait3A_169 = arith.constant 64 : i32
    %dma_wait3A_170 = arith.constant 0 : i32
    %dma_wait3A_171 = tpu.memref_slice %arg10[%dma_wait3A_169, %dma_wait3A_170] : memref<128x128xf32, #tpu.memory_space<vmem>> -> memref<32x128xf32, #tpu.memory_space<vmem>>
    %dma_wait3A_172 = arith.constant 64 : i32
    %dma_wait3A_173 = tpu.memref_slice %arg8[%dma_wait3A_172] : memref<128xi32, #tpu.memory_space<vmem>> -> memref<32xi32, #tpu.memory_space<vmem>>
    %dma_wait3A_174 = arith.constant 0 : i32
    %dma_wait3A_175 = arith.constant 0 : i32
    %dma_wait3A_176 = tpu.memref_slice %arg5[%dma_wait3A_174, %dma_wait3A_175] : memref<10000x128xf32, #tpu.memory_space<hbm>> -> memref<10000x128xf32, #tpu.memory_space<hbm>>
    tpu.wait_indirect_dma semaphore(%arg11 : memref<!tpu.dma_semaphore, #tpu.memory_space<semaphore_mem>>) src(%dma_wait3A_176 : memref<10000x128xf32, #tpu.memory_space<hbm>>) dst(%dma_wait3A_171 : memref<32x128xf32, #tpu.memory_space<vmem>>)
    %dma_start3A_177 = arith.constant 64 : i32
    %dma_start3A_178 = arith.constant 0 : i32
    %dma_start3A_179 = tpu.memref_slice %arg10[%dma_start3A_177, %dma_start3A_178] : memref<128x128xf32, #tpu.memory_space<vmem>> -> memref<32x128xf32, #tpu.memory_space<vmem>>
    %dma_start3A_180 = arith.constant 128 : i32
    %dma_start3A_181 = tpu.memref_slice %arg6[%add3A_150, %dma_start3A_180] : memref<4096x256xf32, #tpu.memory_space<hbm>> -> memref<32x128xf32, #tpu.memory_space<hbm>>
    %dma_start3A_182 = arith.constant 128 : i32
    %dma_start3A_183 = tpu.memref_slice %arg6[%add3A_150, %dma_start3A_182] : memref<4096x256xf32, #tpu.memory_space<hbm>> -> memref<32x128xf32, #tpu.memory_space<hbm>>
    %dma_start3A_184 = arith.constant 64 : i32
    %dma_start3A_185 = arith.constant 0 : i32
    %dma_start3A_186 = tpu.memref_slice %arg10[%dma_start3A_184, %dma_start3A_185] : memref<128x128xf32, #tpu.memory_space<vmem>> -> memref<32x128xf32, #tpu.memory_space<vmem>>
    tpu.enqueue_dma source(%dma_start3A_186 : memref<32x128xf32, #tpu.memory_space<vmem>>) target(%dma_start3A_183 : memref<32x128xf32, #tpu.memory_space<hbm>>) target_semaphore(%arg12 : memref<!tpu.dma_semaphore, #tpu.memory_space<semaphore_mem>>)
    %add3A_187 = arith.constant 96 : i32
    %add3A_188 = arith.addi %mul3A_2, %add3A_187 : i32
    %dma_wait3A_189 = arith.constant 96 : i32
    %dma_wait3A_190 = arith.constant 0 : i32
    %dma_wait3A_191 = tpu.memref_slice %arg9[%dma_wait3A_189, %dma_wait3A_190] : memref<128x128xf32, #tpu.memory_space<vmem>> -> memref<32x128xf32, #tpu.memory_space<vmem>>
    %dma_wait3A_192 = arith.constant 96 : i32
    %dma_wait3A_193 = tpu.memref_slice %arg7[%dma_wait3A_192] : memref<128xi32, #tpu.memory_space<vmem>> -> memref<32xi32, #tpu.memory_space<vmem>>
    %dma_wait3A_194 = arith.constant 0 : i32
    %dma_wait3A_195 = arith.constant 0 : i32
    %dma_wait3A_196 = tpu.memref_slice %arg4[%dma_wait3A_194, %dma_wait3A_195] : memref<100000x128xf32, #tpu.memory_space<hbm>> -> memref<100000x128xf32, #tpu.memory_space<hbm>>
    tpu.wait_indirect_dma semaphore(%arg11 : memref<!tpu.dma_semaphore, #tpu.memory_space<semaphore_mem>>) src(%dma_wait3A_196 : memref<100000x128xf32, #tpu.memory_space<hbm>>) dst(%dma_wait3A_191 : memref<32x128xf32, #tpu.memory_space<vmem>>)
    %dma_start3A_197 = arith.constant 96 : i32
    %dma_start3A_198 = arith.constant 0 : i32
    %dma_start3A_199 = tpu.memref_slice %arg9[%dma_start3A_197, %dma_start3A_198] : memref<128x128xf32, #tpu.memory_space<vmem>> -> memref<32x128xf32, #tpu.memory_space<vmem>>
    %dma_start3A_200 = arith.constant 0 : i32
    %dma_start3A_201 = tpu.memref_slice %arg6[%add3A_188, %dma_start3A_200] : memref<4096x256xf32, #tpu.memory_space<hbm>> -> memref<32x128xf32, #tpu.memory_space<hbm>>
    %dma_start3A_202 = arith.constant 0 : i32
    %dma_start3A_203 = tpu.memref_slice %arg6[%add3A_188, %dma_start3A_202] : memref<4096x256xf32, #tpu.memory_space<hbm>> -> memref<32x128xf32, #tpu.memory_space<hbm>>
    %dma_start3A_204 = arith.constant 96 : i32
    %dma_start3A_205 = arith.constant 0 : i32
    %dma_start3A_206 = tpu.memref_slice %arg9[%dma_start3A_204, %dma_start3A_205] : memref<128x128xf32, #tpu.memory_space<vmem>> -> memref<32x128xf32, #tpu.memory_space<vmem>>
    tpu.enqueue_dma source(%dma_start3A_206 : memref<32x128xf32, #tpu.memory_space<vmem>>) target(%dma_start3A_203 : memref<32x128xf32, #tpu.memory_space<hbm>>) target_semaphore(%arg12 : memref<!tpu.dma_semaphore, #tpu.memory_space<semaphore_mem>>)
    %dma_wait3A_207 = arith.constant 96 : i32
    %dma_wait3A_208 = arith.constant 0 : i32
    %dma_wait3A_209 = tpu.memref_slice %arg10[%dma_wait3A_207, %dma_wait3A_208] : memref<128x128xf32, #tpu.memory_space<vmem>> -> memref<32x128xf32, #tpu.memory_space<vmem>>
    %dma_wait3A_210 = arith.constant 96 : i32
    %dma_wait3A_211 = tpu.memref_slice %arg8[%dma_wait3A_210] : memref<128xi32, #tpu.memory_space<vmem>> -> memref<32xi32, #tpu.memory_space<vmem>>
    %dma_wait3A_212 = arith.constant 0 : i32
    %dma_wait3A_213 = arith.constant 0 : i32
    %dma_wait3A_214 = tpu.memref_slice %arg5[%dma_wait3A_212, %dma_wait3A_213] : memref<10000x128xf32, #tpu.memory_space<hbm>> -> memref<10000x128xf32, #tpu.memory_space<hbm>>
    tpu.wait_indirect_dma semaphore(%arg11 : memref<!tpu.dma_semaphore, #tpu.memory_space<semaphore_mem>>) src(%dma_wait3A_214 : memref<10000x128xf32, #tpu.memory_space<hbm>>) dst(%dma_wait3A_209 : memref<32x128xf32, #tpu.memory_space<vmem>>)
    %dma_start3A_215 = arith.constant 96 : i32
    %dma_start3A_216 = arith.constant 0 : i32
    %dma_start3A_217 = tpu.memref_slice %arg10[%dma_start3A_215, %dma_start3A_216] : memref<128x128xf32, #tpu.memory_space<vmem>> -> memref<32x128xf32, #tpu.memory_space<vmem>>
    %dma_start3A_218 = arith.constant 128 : i32
    %dma_start3A_219 = tpu.memref_slice %arg6[%add3A_188, %dma_start3A_218] : memref<4096x256xf32, #tpu.memory_space<hbm>> -> memref<32x128xf32, #tpu.memory_space<hbm>>
    %dma_start3A_220 = arith.constant 128 : i32
    %dma_start3A_221 = tpu.memref_slice %arg6[%add3A_188, %dma_start3A_220] : memref<4096x256xf32, #tpu.memory_space<hbm>> -> memref<32x128xf32, #tpu.memory_space<hbm>>
    %dma_start3A_222 = arith.constant 96 : i32
    %dma_start3A_223 = arith.constant 0 : i32
    %dma_start3A_224 = tpu.memref_slice %arg10[%dma_start3A_222, %dma_start3A_223] : memref<128x128xf32, #tpu.memory_space<vmem>> -> memref<32x128xf32, #tpu.memory_space<vmem>>
    tpu.enqueue_dma source(%dma_start3A_224 : memref<32x128xf32, #tpu.memory_space<vmem>>) target(%dma_start3A_221 : memref<32x128xf32, #tpu.memory_space<hbm>>) target_semaphore(%arg12 : memref<!tpu.dma_semaphore, #tpu.memory_space<semaphore_mem>>)
    %dma_wait3A_225 = arith.constant 0 : i32
    %dma_wait3A_226 = arith.constant 0 : i32
    %dma_wait3A_227 = tpu.memref_slice %arg9[%dma_wait3A_225, %dma_wait3A_226] : memref<128x128xf32, #tpu.memory_space<vmem>> -> memref<32x128xf32, #tpu.memory_space<vmem>>
    %dma_wait3A_228 = arith.constant 0 : i32
    %dma_wait3A_229 = tpu.memref_slice %arg6[%add3A_74, %dma_wait3A_228] : memref<4096x256xf32, #tpu.memory_space<hbm>> -> memref<32x128xf32, #tpu.memory_space<hbm>>
    %dma_wait3A_230 = arith.constant 0 : i32
    %dma_wait3A_231 = tpu.memref_slice %arg6[%add3A_74, %dma_wait3A_230] : memref<4096x256xf32, #tpu.memory_space<hbm>> -> memref<32x128xf32, #tpu.memory_space<hbm>>
    %dma_wait3A_232 = arith.constant 0 : i32
    %dma_wait3A_233 = arith.constant 0 : i32
    %dma_wait3A_234 = tpu.memref_slice %arg9[%dma_wait3A_232, %dma_wait3A_233] : memref<128x128xf32, #tpu.memory_space<vmem>> -> memref<32x128xf32, #tpu.memory_space<vmem>>
    tpu.wait_dma2 semaphore(%arg12 : memref<!tpu.dma_semaphore, #tpu.memory_space<semaphore_mem>>) src(%dma_wait3A_234 : memref<32x128xf32, #tpu.memory_space<vmem>>) dst(%dma_wait3A_231 : memref<32x128xf32, #tpu.memory_space<hbm>>)
    %dma_wait3A_235 = arith.constant 0 : i32
    %dma_wait3A_236 = arith.constant 0 : i32
    %dma_wait3A_237 = tpu.memref_slice %arg10[%dma_wait3A_235, %dma_wait3A_236] : memref<128x128xf32, #tpu.memory_space<vmem>> -> memref<32x128xf32, #tpu.memory_space<vmem>>
    %dma_wait3A_238 = arith.constant 128 : i32
    %dma_wait3A_239 = tpu.memref_slice %arg6[%add3A_74, %dma_wait3A_238] : memref<4096x256xf32, #tpu.memory_space<hbm>> -> memref<32x128xf32, #tpu.memory_space<hbm>>
    %dma_wait3A_240 = arith.constant 128 : i32
    %dma_wait3A_241 = tpu.memref_slice %arg6[%add3A_74, %dma_wait3A_240] : memref<4096x256xf32, #tpu.memory_space<hbm>> -> memref<32x128xf32, #tpu.memory_space<hbm>>
    %dma_wait3A_242 = arith.constant 0 : i32
    %dma_wait3A_243 = arith.constant 0 : i32
    %dma_wait3A_244 = tpu.memref_slice %arg10[%dma_wait3A_242, %dma_wait3A_243] : memref<128x128xf32, #tpu.memory_space<vmem>> -> memref<32x128xf32, #tpu.memory_space<vmem>>
    tpu.wait_dma2 semaphore(%arg12 : memref<!tpu.dma_semaphore, #tpu.memory_space<semaphore_mem>>) src(%dma_wait3A_244 : memref<32x128xf32, #tpu.memory_space<vmem>>) dst(%dma_wait3A_241 : memref<32x128xf32, #tpu.memory_space<hbm>>)
    %dma_wait3A_245 = arith.constant 32 : i32
    %dma_wait3A_246 = arith.constant 0 : i32
    %dma_wait3A_247 = tpu.memref_slice %arg9[%dma_wait3A_245, %dma_wait3A_246] : memref<128x128xf32, #tpu.memory_space<vmem>> -> memref<32x128xf32, #tpu.memory_space<vmem>>
    %dma_wait3A_248 = arith.constant 0 : i32
    %dma_wait3A_249 = tpu.memref_slice %arg6[%add3A_112, %dma_wait3A_248] : memref<4096x256xf32, #tpu.memory_space<hbm>> -> memref<32x128xf32, #tpu.memory_space<hbm>>
    %dma_wait3A_250 = arith.constant 0 : i32
    %dma_wait3A_251 = tpu.memref_slice %arg6[%add3A_112, %dma_wait3A_250] : memref<4096x256xf32, #tpu.memory_space<hbm>> -> memref<32x128xf32, #tpu.memory_space<hbm>>
    %dma_wait3A_252 = arith.constant 32 : i32
    %dma_wait3A_253 = arith.constant 0 : i32
    %dma_wait3A_254 = tpu.memref_slice %arg9[%dma_wait3A_252, %dma_wait3A_253] : memref<128x128xf32, #tpu.memory_space<vmem>> -> memref<32x128xf32, #tpu.memory_space<vmem>>
    tpu.wait_dma2 semaphore(%arg12 : memref<!tpu.dma_semaphore, #tpu.memory_space<semaphore_mem>>) src(%dma_wait3A_254 : memref<32x128xf32, #tpu.memory_space<vmem>>) dst(%dma_wait3A_251 : memref<32x128xf32, #tpu.memory_space<hbm>>)
    %dma_wait3A_255 = arith.constant 32 : i32
    %dma_wait3A_256 = arith.constant 0 : i32
    %dma_wait3A_257 = tpu.memref_slice %arg10[%dma_wait3A_255, %dma_wait3A_256] : memref<128x128xf32, #tpu.memory_space<vmem>> -> memref<32x128xf32, #tpu.memory_space<vmem>>
    %dma_wait3A_258 = arith.constant 128 : i32
    %dma_wait3A_259 = tpu.memref_slice %arg6[%add3A_112, %dma_wait3A_258] : memref<4096x256xf32, #tpu.memory_space<hbm>> -> memref<32x128xf32, #tpu.memory_space<hbm>>
    %dma_wait3A_260 = arith.constant 128 : i32
    %dma_wait3A_261 = tpu.memref_slice %arg6[%add3A_112, %dma_wait3A_260] : memref<4096x256xf32, #tpu.memory_space<hbm>> -> memref<32x128xf32, #tpu.memory_space<hbm>>
    %dma_wait3A_262 = arith.constant 32 : i32
    %dma_wait3A_263 = arith.constant 0 : i32
    %dma_wait3A_264 = tpu.memref_slice %arg10[%dma_wait3A_262, %dma_wait3A_263] : memref<128x128xf32, #tpu.memory_space<vmem>> -> memref<32x128xf32, #tpu.memory_space<vmem>>
    tpu.wait_dma2 semaphore(%arg12 : memref<!tpu.dma_semaphore, #tpu.memory_space<semaphore_mem>>) src(%dma_wait3A_264 : memref<32x128xf32, #tpu.memory_space<vmem>>) dst(%dma_wait3A_261 : memref<32x128xf32, #tpu.memory_space<hbm>>)
    %dma_wait3A_265 = arith.constant 64 : i32
    %dma_wait3A_266 = arith.constant 0 : i32
    %dma_wait3A_267 = tpu.memref_slice %arg9[%dma_wait3A_265, %dma_wait3A_266] : memref<128x128xf32, #tpu.memory_space<vmem>> -> memref<32x128xf32, #tpu.memory_space<vmem>>
    %dma_wait3A_268 = arith.constant 0 : i32
    %dma_wait3A_269 = tpu.memref_slice %arg6[%add3A_150, %dma_wait3A_268] : memref<4096x256xf32, #tpu.memory_space<hbm>> -> memref<32x128xf32, #tpu.memory_space<hbm>>
    %dma_wait3A_270 = arith.constant 0 : i32
    %dma_wait3A_271 = tpu.memref_slice %arg6[%add3A_150, %dma_wait3A_270] : memref<4096x256xf32, #tpu.memory_space<hbm>> -> memref<32x128xf32, #tpu.memory_space<hbm>>
    %dma_wait3A_272 = arith.constant 64 : i32
    %dma_wait3A_273 = arith.constant 0 : i32
    %dma_wait3A_274 = tpu.memref_slice %arg9[%dma_wait3A_272, %dma_wait3A_273] : memref<128x128xf32, #tpu.memory_space<vmem>> -> memref<32x128xf32, #tpu.memory_space<vmem>>
    tpu.wait_dma2 semaphore(%arg12 : memref<!tpu.dma_semaphore, #tpu.memory_space<semaphore_mem>>) src(%dma_wait3A_274 : memref<32x128xf32, #tpu.memory_space<vmem>>) dst(%dma_wait3A_271 : memref<32x128xf32, #tpu.memory_space<hbm>>)
    %dma_wait3A_275 = arith.constant 64 : i32
    %dma_wait3A_276 = arith.constant 0 : i32
    %dma_wait3A_277 = tpu.memref_slice %arg10[%dma_wait3A_275, %dma_wait3A_276] : memref<128x128xf32, #tpu.memory_space<vmem>> -> memref<32x128xf32, #tpu.memory_space<vmem>>
    %dma_wait3A_278 = arith.constant 128 : i32
    %dma_wait3A_279 = tpu.memref_slice %arg6[%add3A_150, %dma_wait3A_278] : memref<4096x256xf32, #tpu.memory_space<hbm>> -> memref<32x128xf32, #tpu.memory_space<hbm>>
    %dma_wait3A_280 = arith.constant 128 : i32
    %dma_wait3A_281 = tpu.memref_slice %arg6[%add3A_150, %dma_wait3A_280] : memref<4096x256xf32, #tpu.memory_space<hbm>> -> memref<32x128xf32, #tpu.memory_space<hbm>>
    %dma_wait3A_282 = arith.constant 64 : i32
    %dma_wait3A_283 = arith.constant 0 : i32
    %dma_wait3A_284 = tpu.memref_slice %arg10[%dma_wait3A_282, %dma_wait3A_283] : memref<128x128xf32, #tpu.memory_space<vmem>> -> memref<32x128xf32, #tpu.memory_space<vmem>>
    tpu.wait_dma2 semaphore(%arg12 : memref<!tpu.dma_semaphore, #tpu.memory_space<semaphore_mem>>) src(%dma_wait3A_284 : memref<32x128xf32, #tpu.memory_space<vmem>>) dst(%dma_wait3A_281 : memref<32x128xf32, #tpu.memory_space<hbm>>)
    %dma_wait3A_285 = arith.constant 96 : i32
    %dma_wait3A_286 = arith.constant 0 : i32
    %dma_wait3A_287 = tpu.memref_slice %arg9[%dma_wait3A_285, %dma_wait3A_286] : memref<128x128xf32, #tpu.memory_space<vmem>> -> memref<32x128xf32, #tpu.memory_space<vmem>>
    %dma_wait3A_288 = arith.constant 0 : i32
    %dma_wait3A_289 = tpu.memref_slice %arg6[%add3A_188, %dma_wait3A_288] : memref<4096x256xf32, #tpu.memory_space<hbm>> -> memref<32x128xf32, #tpu.memory_space<hbm>>
    %dma_wait3A_290 = arith.constant 0 : i32
    %dma_wait3A_291 = tpu.memref_slice %arg6[%add3A_188, %dma_wait3A_290] : memref<4096x256xf32, #tpu.memory_space<hbm>> -> memref<32x128xf32, #tpu.memory_space<hbm>>
    %dma_wait3A_292 = arith.constant 96 : i32
    %dma_wait3A_293 = arith.constant 0 : i32
    %dma_wait3A_294 = tpu.memref_slice %arg9[%dma_wait3A_292, %dma_wait3A_293] : memref<128x128xf32, #tpu.memory_space<vmem>> -> memref<32x128xf32, #tpu.memory_space<vmem>>
    tpu.wait_dma2 semaphore(%arg12 : memref<!tpu.dma_semaphore, #tpu.memory_space<semaphore_mem>>) src(%dma_wait3A_294 : memref<32x128xf32, #tpu.memory_space<vmem>>) dst(%dma_wait3A_291 : memref<32x128xf32, #tpu.memory_space<hbm>>)
    %dma_wait3A_295 = arith.constant 96 : i32
    %dma_wait3A_296 = arith.constant 0 : i32
    %dma_wait3A_297 = tpu.memref_slice %arg10[%dma_wait3A_295, %dma_wait3A_296] : memref<128x128xf32, #tpu.memory_space<vmem>> -> memref<32x128xf32, #tpu.memory_space<vmem>>
    %dma_wait3A_298 = arith.constant 128 : i32
    %dma_wait3A_299 = tpu.memref_slice %arg6[%add3A_188, %dma_wait3A_298] : memref<4096x256xf32, #tpu.memory_space<hbm>> -> memref<32x128xf32, #tpu.memory_space<hbm>>
    %dma_wait3A_300 = arith.constant 128 : i32
    %dma_wait3A_301 = tpu.memref_slice %arg6[%add3A_188, %dma_wait3A_300] : memref<4096x256xf32, #tpu.memory_space<hbm>> -> memref<32x128xf32, #tpu.memory_space<hbm>>
    %dma_wait3A_302 = arith.constant 96 : i32
    %dma_wait3A_303 = arith.constant 0 : i32
    %dma_wait3A_304 = tpu.memref_slice %arg10[%dma_wait3A_302, %dma_wait3A_303] : memref<128x128xf32, #tpu.memory_space<vmem>> -> memref<32x128xf32, #tpu.memory_space<vmem>>
    tpu.wait_dma2 semaphore(%arg12 : memref<!tpu.dma_semaphore, #tpu.memory_space<semaphore_mem>>) src(%dma_wait3A_304 : memref<32x128xf32, #tpu.memory_space<vmem>>) dst(%dma_wait3A_301 : memref<32x128xf32, #tpu.memory_space<hbm>>)
    return
  }
}

module attributes {stable_mosaic.version = 14 : i64} {
  func.func @_mlp_body(%arg0: i32, %arg1: memref<2048x256xf32, #tpu.memory_space<vmem>>, %arg2: memref<1x1x2048xi32, #tpu.memory_space<vmem>>, %arg3: memref<1x1x2048xi32, #tpu.memory_space<vmem>>, %arg4: memref<1x1x2048xi32, #tpu.memory_space<vmem>>, %arg5: memref<2x128xf32, #tpu.memory_space<vmem>>, %arg6: memref<7x128xf32, #tpu.memory_space<vmem>>, %arg7: memref<21x128xf32, #tpu.memory_space<vmem>>, %arg8: memref<128x1024xbf16, #tpu.memory_space<vmem>>, %arg9: memref<384x1024xbf16, #tpu.memory_space<vmem>>, %arg10: memref<128x1024xbf16, #tpu.memory_space<vmem>>, %arg11: memref<1x1024xf32, #tpu.memory_space<vmem>>, %arg12: memref<1024x512xbf16, #tpu.memory_space<vmem>>, %arg13: memref<1x512xf32, #tpu.memory_space<vmem>>, %arg14: memref<512x128xbf16, #tpu.memory_space<vmem>>, %arg15: memref<1x128xf32, #tpu.memory_space<vmem>>, %arg16: memref<2048x128xf32, #tpu.memory_space<vmem>>, %arg17: memref<296x1024xbf16, #tpu.memory_space<vmem>>) attributes {dimension_semantics = [#tpu.dimension_semantics<arbitrary>], iteration_bounds = array<i64: 2>, scalar_prefetch = 0 : i64, scratch_operands = 1 : i64, tpu.core_type = #tpu.core_type<tc>, window_params = [{transform_indices = @transform_0, window_bounds = array<i64: 2048, 256>}, {transform_indices = @transform_1, window_bounds = array<i64: 1, 1, 2048>}, {transform_indices = @transform_2, window_bounds = array<i64: 1, 1, 2048>}, {transform_indices = @transform_3, window_bounds = array<i64: 1, 1, 2048>}, {pipeline_mode = #tpu.pipeline_mode<synchronous>, transform_indices = @transform_4, window_bounds = array<i64: 2, 128>}, {pipeline_mode = #tpu.pipeline_mode<synchronous>, transform_indices = @transform_5, window_bounds = array<i64: 7, 128>}, {pipeline_mode = #tpu.pipeline_mode<synchronous>, transform_indices = @transform_6, window_bounds = array<i64: 21, 128>}, {pipeline_mode = #tpu.pipeline_mode<synchronous>, transform_indices = @transform_7, window_bounds = array<i64: 128, 1024>}, {pipeline_mode = #tpu.pipeline_mode<synchronous>, transform_indices = @transform_8, window_bounds = array<i64: 384, 1024>}, {pipeline_mode = #tpu.pipeline_mode<synchronous>, transform_indices = @transform_9, window_bounds = array<i64: 128, 1024>}, {pipeline_mode = #tpu.pipeline_mode<synchronous>, transform_indices = @transform_10, window_bounds = array<i64: 1, 1024>}, {pipeline_mode = #tpu.pipeline_mode<synchronous>, transform_indices = @transform_11, window_bounds = array<i64: 1024, 512>}, {pipeline_mode = #tpu.pipeline_mode<synchronous>, transform_indices = @transform_12, window_bounds = array<i64: 1, 512>}, {pipeline_mode = #tpu.pipeline_mode<synchronous>, transform_indices = @transform_13, window_bounds = array<i64: 512, 128>}, {pipeline_mode = #tpu.pipeline_mode<synchronous>, transform_indices = @transform_14, window_bounds = array<i64: 1, 128>}, {transform_indices = @transform_15, window_bounds = array<i64: 2048, 128>}]} {
    %eq3A = arith.constant 0 : i32
    %eq3A_0 = arith.cmpi eq, %arg0, %eq3A : i32
    %convert_element_type3A = arith.extui %eq3A_0 : i1 to i32
    %cond3A = arith.constant 0 : i32
    %cond3A_1 = arith.cmpi ne, %convert_element_type3A, %cond3A : i32
    scf.if %cond3A_1 {
      %get3A_84 = arith.constant 0 : index
      %get3A_85 = arith.constant 0 : index
      %get3A_86 = vector.load %arg8[%get3A_84, %get3A_85] : memref<128x1024xbf16, #tpu.memory_space<vmem>>, vector<128x1024xbf16>
      %get3A_87 = arith.constant 0 : index
      %get3A_88 = arith.constant 0 : index
      %get3A_89 = vector.load %arg10[%get3A_87, %get3A_88] : memref<128x1024xbf16, #tpu.memory_space<vmem>>, vector<128x1024xbf16>
      %concatenate3A_90 = tpu.concatenate %get3A_86, %get3A_89 in 0 : vector<128x1024xbf16>, vector<128x1024xbf16> -> vector<256x1024xbf16>
      %swap3A_91 = arith.constant 0 : index
      %swap3A_92 = arith.constant 0 : index
      %swap3A_93 = vector.load %arg17[%swap3A_91, %swap3A_92] : memref<296x1024xbf16, #tpu.memory_space<vmem>>, vector<256x1024xbf16>
      tpu.vector_store %arg17[%swap3A_91, %swap3A_92], %concatenate3A_90 {strides = array<i32>} : memref<296x1024xbf16, #tpu.memory_space<vmem>>, vector<256x1024xbf16>,
      %broadcast_in_dim3A_94 = arith.constant 0.000000e+00 : bf16
      %broadcast_in_dim3A_95 = vector.broadcast %broadcast_in_dim3A_94 : bf16 to vector<40x1024xbf16>
      %swap3A_96 = arith.constant 256 : index
      %swap3A_97 = arith.constant 0 : index
      %swap3A_98 = vector.load %arg17[%swap3A_96, %swap3A_97] : memref<296x1024xbf16, #tpu.memory_space<vmem>>, vector<40x1024xbf16>
      tpu.vector_store %arg17[%swap3A_96, %swap3A_97], %broadcast_in_dim3A_95 {strides = array<i32>} : memref<296x1024xbf16, #tpu.memory_space<vmem>>, vector<40x1024xbf16>,
      %get3A_99 = arith.constant 0 : index
      %get3A_100 = arith.constant 0 : index
      %get3A_101 = vector.load %arg5[%get3A_99, %get3A_100] : memref<2x128xf32, #tpu.memory_space<vmem>>, vector<2x128xf32>
      %convert_element_type3A_102 = arith.truncf %get3A_101 : vector<2x128xf32> to vector<2x128xbf16>
      %get3A_103 = arith.constant 0 : index
      %get3A_104 = arith.constant 0 : index
      %get3A_105 = vector.load %arg9[%get3A_103, %get3A_104] : memref<384x1024xbf16, #tpu.memory_space<vmem>>, vector<128x1024xbf16>
      %dot_general3A_106 = arith.constant dense<0.000000e+00> : vector<2x1024xf32>
      %dot_general3A_107 = tpu.matmul %convert_element_type3A_102, %get3A_105, %dot_general3A_106 {dimension_numbers = #tpu.dot_dimension_numbers<[1], [0], [0], [1], [0, 0, 1, 1], [], []>, transpose_lhs_hint = false} : vector<2x128xbf16>, vector<128x1024xbf16>, vector<2x1024xf32> -> vector<2x1024xf32>
      %convert_element_type3A_108 = arith.truncf %dot_general3A_107 : vector<2x1024xf32> to vector<2x1024xbf16>
      %swap3A_109 = arith.constant 256 : index
      %swap3A_110 = arith.constant 0 : index
      %swap3A_111 = vector.load %arg17[%swap3A_109, %swap3A_110] : memref<296x1024xbf16, #tpu.memory_space<vmem>>, vector<2x1024xbf16>
      tpu.vector_store %arg17[%swap3A_109, %swap3A_110], %convert_element_type3A_108 {strides = array<i32>} : memref<296x1024xbf16, #tpu.memory_space<vmem>>, vector<2x1024xbf16>,
      %get3A_112 = arith.constant 0 : index
      %get3A_113 = arith.constant 0 : index
      %get3A_114 = vector.load %arg6[%get3A_112, %get3A_113] : memref<7x128xf32, #tpu.memory_space<vmem>>, vector<7x128xf32>
      %convert_element_type3A_115 = arith.truncf %get3A_114 : vector<7x128xf32> to vector<7x128xbf16>
      %get3A_116 = arith.constant 128 : index
      %get3A_117 = arith.constant 0 : index
      %get3A_118 = vector.load %arg9[%get3A_116, %get3A_117] : memref<384x1024xbf16, #tpu.memory_space<vmem>>, vector<128x1024xbf16>
      %dot_general3A_119 = arith.constant dense<0.000000e+00> : vector<7x1024xf32>
      %dot_general3A_120 = tpu.matmul %convert_element_type3A_115, %get3A_118, %dot_general3A_119 {dimension_numbers = #tpu.dot_dimension_numbers<[1], [0], [0], [1], [0, 0, 1, 1], [], []>, transpose_lhs_hint = false} : vector<7x128xbf16>, vector<128x1024xbf16>, vector<7x1024xf32> -> vector<7x1024xf32>
      %convert_element_type3A_121 = arith.truncf %dot_general3A_120 : vector<7x1024xf32> to vector<7x1024xbf16>
      %swap3A_122 = arith.constant 264 : index
      %swap3A_123 = arith.constant 0 : index
      %swap3A_124 = vector.load %arg17[%swap3A_122, %swap3A_123] : memref<296x1024xbf16, #tpu.memory_space<vmem>>, vector<7x1024xbf16>
      tpu.vector_store %arg17[%swap3A_122, %swap3A_123], %convert_element_type3A_121 {strides = array<i32>} : memref<296x1024xbf16, #tpu.memory_space<vmem>>, vector<7x1024xbf16>,
      %get3A_125 = arith.constant 0 : index
      %get3A_126 = arith.constant 0 : index
      %get3A_127 = vector.load %arg7[%get3A_125, %get3A_126] : memref<21x128xf32, #tpu.memory_space<vmem>>, vector<21x128xf32>
      %convert_element_type3A_128 = arith.truncf %get3A_127 : vector<21x128xf32> to vector<21x128xbf16>
      %get3A_129 = arith.constant 256 : index
      %get3A_130 = arith.constant 0 : index
      %get3A_131 = vector.load %arg9[%get3A_129, %get3A_130] : memref<384x1024xbf16, #tpu.memory_space<vmem>>, vector<128x1024xbf16>
      %dot_general3A_132 = arith.constant dense<0.000000e+00> : vector<21x1024xf32>
      %dot_general3A_133 = tpu.matmul %convert_element_type3A_128, %get3A_131, %dot_general3A_132 {dimension_numbers = #tpu.dot_dimension_numbers<[1], [0], [0], [1], [0, 0, 1, 1], [], []>, transpose_lhs_hint = false} : vector<21x128xbf16>, vector<128x1024xbf16>, vector<21x1024xf32> -> vector<21x1024xf32>
      %convert_element_type3A_134 = arith.truncf %dot_general3A_133 : vector<21x1024xf32> to vector<21x1024xbf16>
      %swap3A_135 = arith.constant 272 : index
      %swap3A_136 = arith.constant 0 : index
      %swap3A_137 = vector.load %arg17[%swap3A_135, %swap3A_136] : memref<296x1024xbf16, #tpu.memory_space<vmem>>, vector<21x1024xbf16>
      tpu.vector_store %arg17[%swap3A_135, %swap3A_136], %convert_element_type3A_134 {strides = array<i32>} : memref<296x1024xbf16, #tpu.memory_space<vmem>>, vector<21x1024xbf16>,
      %get3A_138 = arith.constant 0 : index
      %get3A_139 = arith.constant 0 : index
      %get3A_140 = vector.load %arg11[%get3A_138, %get3A_139] : memref<1x1024xf32, #tpu.memory_space<vmem>>, vector<1x1024xf32>
      %convert_element_type3A_141 = arith.truncf %get3A_140 : vector<1x1024xf32> to vector<1x1024xbf16>
      %swap3A_142 = arith.constant 293 : index
      %swap3A_143 = arith.constant 0 : index
      %swap3A_144 = vector.load %arg17[%swap3A_142, %swap3A_143] : memref<296x1024xbf16, #tpu.memory_space<vmem>>, vector<1x1024xbf16>
      tpu.vector_store %arg17[%swap3A_142, %swap3A_143], %convert_element_type3A_141 {strides = array<i32>} : memref<296x1024xbf16, #tpu.memory_space<vmem>>, vector<1x1024xbf16>,
    } else {
    }
    %get3A = arith.constant 0 : index
    %get3A_2 = arith.constant 0 : index
    %get3A_3 = arith.constant 0 : index
    %get3A_4 = vector.load %arg2[%get3A, %get3A_2, %get3A_3] : memref<1x1x2048xi32, #tpu.memory_space<vmem>>, vector<1x1x2048xi32>
    %get3A_5 = vector.shape_cast %get3A_4 : vector<1x1x2048xi32> to vector<2048xi32>
    %get3A_6 = arith.constant 0 : index
    %get3A_7 = arith.constant 0 : index
    %get3A_8 = arith.constant 0 : index
    %get3A_9 = vector.load %arg3[%get3A_6, %get3A_7, %get3A_8] : memref<1x1x2048xi32, #tpu.memory_space<vmem>>, vector<1x1x2048xi32>
    %get3A_10 = vector.shape_cast %get3A_9 : vector<1x1x2048xi32> to vector<2048xi32>
    %get3A_11 = arith.constant 0 : index
    %get3A_12 = arith.constant 0 : index
    %get3A_13 = arith.constant 0 : index
    %get3A_14 = vector.load %arg4[%get3A_11, %get3A_12, %get3A_13] : memref<1x1x2048xi32, #tpu.memory_space<vmem>>, vector<1x1x2048xi32>
    %get3A_15 = vector.shape_cast %get3A_14 : vector<1x1x2048xi32> to vector<2048xi32>
    %iota3A = tpu.iota {dimensions = array<i32: 1>} : vector<2048x40xi32>
    %broadcast_in_dim3A = vector.shape_cast %get3A_5 : vector<2048xi32> to vector<2048x1xi32>
    %eq3A_16 = vector.broadcast %broadcast_in_dim3A : vector<2048x1xi32> to vector<2048x40xi32>
    %eq3A_17 = arith.cmpi eq, %eq3A_16, %iota3A : vector<2048x40xi32>
    %broadcast_in_dim3A_18 = vector.shape_cast %get3A_10 : vector<2048xi32> to vector<2048x1xi32>
    %add3A = arith.constant 8 : i32
    %add3A_19 = vector.broadcast %add3A : i32 to vector<2048x1xi32>
    %add3A_20 = arith.addi %broadcast_in_dim3A_18, %add3A_19 : vector<2048x1xi32>
    %eq3A_21 = vector.broadcast %add3A_20 : vector<2048x1xi32> to vector<2048x40xi32>
    %eq3A_22 = arith.cmpi eq, %eq3A_21, %iota3A : vector<2048x40xi32>
    %or3A = arith.ori %eq3A_17, %eq3A_22 : vector<2048x40xi1>
    %broadcast_in_dim3A_23 = vector.shape_cast %get3A_15 : vector<2048xi32> to vector<2048x1xi32>
    %add3A_24 = arith.constant 16 : i32
    %add3A_25 = vector.broadcast %add3A_24 : i32 to vector<2048x1xi32>
    %add3A_26 = arith.addi %broadcast_in_dim3A_23, %add3A_25 : vector<2048x1xi32>
    %eq3A_27 = vector.broadcast %add3A_26 : vector<2048x1xi32> to vector<2048x40xi32>
    %eq3A_28 = arith.cmpi eq, %eq3A_27, %iota3A : vector<2048x40xi32>
    %or3A_29 = arith.ori %or3A, %eq3A_28 : vector<2048x40xi1>
    %eq3A_30 = arith.constant 37 : i32
    %eq3A_31 = vector.broadcast %eq3A_30 : i32 to vector<2048x40xi32>
    %eq3A_32 = arith.cmpi eq, %iota3A, %eq3A_31 : vector<2048x40xi32>
    %or3A_33 = arith.ori %or3A_29, %eq3A_32 : vector<2048x40xi1>
    %convert_element_type3A_34 = arith.extui %or3A_33 : vector<2048x40xi1> to vector<2048x40xi32>
    %convert_element_type3A_35 = arith.sitofp %convert_element_type3A_34 : vector<2048x40xi32> to vector<2048x40xf32>
    %convert_element_type3A_36 = arith.truncf %convert_element_type3A_35 : vector<2048x40xf32> to vector<2048x40xbf16>
    %get3A_37 = arith.constant 0 : index
    %get3A_38 = arith.constant 0 : index
    %get3A_39 = vector.load %arg1[%get3A_37, %get3A_38] : memref<2048x256xf32, #tpu.memory_space<vmem>>, vector<2048x256xf32>
    %convert_element_type3A_40 = arith.truncf %get3A_39 : vector<2048x256xf32> to vector<2048x256xbf16>
    %concatenate3A = tpu.concatenate %convert_element_type3A_40, %convert_element_type3A_36 in 1 : vector<2048x256xbf16>, vector<2048x40xbf16> -> vector<2048x296xbf16>
    %get3A_41 = arith.constant 0 : index
    %get3A_42 = arith.constant 0 : index
    %get3A_43 = vector.load %arg17[%get3A_41, %get3A_42] : memref<296x1024xbf16, #tpu.memory_space<vmem>>, vector<296x1024xbf16>
    %dot_general3A = arith.constant dense<0.000000e+00> : vector<2048x1024xf32>
    %dot_general3A_44 = tpu.matmul %concatenate3A, %get3A_43, %dot_general3A {dimension_numbers = #tpu.dot_dimension_numbers<[1], [0], [0], [1], [0, 0, 1, 1], [], []>, transpose_lhs_hint = false} : vector<2048x296xbf16>, vector<296x1024xbf16>, vector<2048x1024xf32> -> vector<2048x1024xf32>
    %max3A = arith.constant 0.000000e+00 : f32
    %max3A_45 = vector.broadcast %max3A : f32 to vector<2048x1024xf32>
    %max3A_46 = arith.maximumf %dot_general3A_44, %max3A_45 : vector<2048x1024xf32>
    %convert_element_type3A_47 = arith.truncf %max3A_46 : vector<2048x1024xf32> to vector<2048x1024xbf16>
    %get3A_48 = arith.constant 0 : index
    %get3A_49 = arith.constant 0 : index
    %get3A_50 = vector.load %arg12[%get3A_48, %get3A_49] : memref<1024x512xbf16, #tpu.memory_space<vmem>>, vector<1024x512xbf16>
    %dot_general3A_51 = arith.constant dense<0.000000e+00> : vector<2048x512xf32>
    %dot_general3A_52 = tpu.matmul %convert_element_type3A_47, %get3A_50, %dot_general3A_51 {dimension_numbers = #tpu.dot_dimension_numbers<[1], [0], [0], [1], [0, 0, 1, 1], [], []>, transpose_lhs_hint = false} : vector<2048x1024xbf16>, vector<1024x512xbf16>, vector<2048x512xf32> -> vector<2048x512xf32>
    %get3A_53 = arith.constant 0 : index
    %get3A_54 = arith.constant 0 : index
    %get3A_55 = vector.load %arg13[%get3A_53, %get3A_54] : memref<1x512xf32, #tpu.memory_space<vmem>>, vector<1x512xf32>
    %add3A_56 = vector.broadcast %get3A_55 : vector<1x512xf32> to vector<2048x512xf32>
    %add3A_57 = arith.addf %dot_general3A_52, %add3A_56 : vector<2048x512xf32>
    %max3A_58 = arith.constant 0.000000e+00 : f32
    %max3A_59 = vector.broadcast %max3A_58 : f32 to vector<2048x512xf32>
    %max3A_60 = arith.maximumf %add3A_57, %max3A_59 : vector<2048x512xf32>
    %convert_element_type3A_61 = arith.truncf %max3A_60 : vector<2048x512xf32> to vector<2048x512xbf16>
    %get3A_62 = arith.constant 0 : index
    %get3A_63 = arith.constant 0 : index
    %get3A_64 = vector.load %arg14[%get3A_62, %get3A_63] : memref<512x128xbf16, #tpu.memory_space<vmem>>, vector<512x128xbf16>
    %dot_general3A_65 = arith.constant dense<0.000000e+00> : vector<2048x128xf32>
    %dot_general3A_66 = tpu.matmul %convert_element_type3A_61, %get3A_64, %dot_general3A_65 {dimension_numbers = #tpu.dot_dimension_numbers<[1], [0], [0], [1], [0, 0, 1, 1], [], []>, transpose_lhs_hint = false} : vector<2048x512xbf16>, vector<512x128xbf16>, vector<2048x128xf32> -> vector<2048x128xf32>
    %get3A_67 = arith.constant 0 : index
    %get3A_68 = arith.constant 0 : index
    %get3A_69 = vector.load %arg15[%get3A_67, %get3A_68] : memref<1x128xf32, #tpu.memory_space<vmem>>, vector<1x128xf32>
    %add3A_70 = vector.broadcast %get3A_69 : vector<1x128xf32> to vector<2048x128xf32>
    %add3A_71 = arith.addf %dot_general3A_66, %add3A_70 : vector<2048x128xf32>
    %max3A_72 = arith.constant 0.000000e+00 : f32
    %max3A_73 = vector.broadcast %max3A_72 : f32 to vector<2048x128xf32>
    %max3A_74 = arith.maximumf %add3A_71, %max3A_73 : vector<2048x128xf32>
    %mul3A = arith.mulf %max3A_74, %max3A_74 : vector<2048x128xf32>
    %reduce_sum3A = arith.constant dense<0.000000e+00> : vector<2048xf32>
    %reduce_sum3A_75 = vector.multi_reduction <add>, %mul3A, %reduce_sum3A [1] : vector<2048x128xf32> to vector<2048xf32>
    %broadcast_in_dim3A_76 = vector.shape_cast %reduce_sum3A_75 : vector<2048xf32> to vector<2048x1xf32>
    %max3A_77 = arith.constant 1.000000e-24 : f32
    %max3A_78 = vector.broadcast %max3A_77 : f32 to vector<2048x1xf32>
    %max3A_79 = arith.maximumf %broadcast_in_dim3A_76, %max3A_78 : vector<2048x1xf32>
    %rsqrt3A = math.rsqrt %max3A_79 : vector<2048x1xf32>
    %mul3A_80 = vector.broadcast %rsqrt3A : vector<2048x1xf32> to vector<2048x128xf32>
    %mul3A_81 = arith.mulf %max3A_74, %mul3A_80 : vector<2048x128xf32>
    %swap3A = arith.constant 0 : index
    %swap3A_82 = arith.constant 0 : index
    %swap3A_83 = vector.load %arg16[%swap3A, %swap3A_82] : memref<2048x128xf32, #tpu.memory_space<vmem>>, vector<2048x128xf32>
    tpu.vector_store %arg16[%swap3A, %swap3A_82], %mul3A_81 {strides = array<i32>} : memref<2048x128xf32, #tpu.memory_space<vmem>>, vector<2048x128xf32>,
    return
  }
  func.func @transform_0(%arg0: i32) -> (i32, i32) {
    %c0_i32 = arith.constant 0 : i32
    %c0_i32_0 = arith.constant 0 : i32
    return %arg0, %c0_i32 : i32, i32
  }
  func.func @transform_1(%arg0: i32) -> (i32, i32, i32) {
    %c0_i32 = arith.constant 0 : i32
    %c0_i32_0 = arith.constant 0 : i32
    %c0_i32_1 = arith.constant 0 : i32
    return %arg0, %c0_i32, %c0_i32_0 : i32, i32, i32
  }
  func.func @transform_2(%arg0: i32) -> (i32, i32, i32) {
    %c0_i32 = arith.constant 0 : i32
    %c0_i32_0 = arith.constant 0 : i32
    %c0_i32_1 = arith.constant 0 : i32
    return %arg0, %c0_i32, %c0_i32_0 : i32, i32, i32
  }
  func.func @transform_3(%arg0: i32) -> (i32, i32, i32) {
    %c0_i32 = arith.constant 0 : i32
    %c0_i32_0 = arith.constant 0 : i32
    %c0_i32_1 = arith.constant 0 : i32
    return %arg0, %c0_i32, %c0_i32_0 : i32, i32, i32
  }
  func.func @transform_4(%arg0: i32) -> (i32, i32) {
    %c0_i32 = arith.constant 0 : i32
    %c0_i32_0 = arith.constant 0 : i32
    %c0_i32_1 = arith.constant 0 : i32
    return %c0_i32, %c0_i32_0 : i32, i32
  }
  func.func @transform_5(%arg0: i32) -> (i32, i32) {
    %c0_i32 = arith.constant 0 : i32
    %c0_i32_0 = arith.constant 0 : i32
    %c0_i32_1 = arith.constant 0 : i32
    return %c0_i32, %c0_i32_0 : i32, i32
  }
  func.func @transform_6(%arg0: i32) -> (i32, i32) {
    %c0_i32 = arith.constant 0 : i32
    %c0_i32_0 = arith.constant 0 : i32
    %c0_i32_1 = arith.constant 0 : i32
    return %c0_i32, %c0_i32_0 : i32, i32
  }
  func.func @transform_7(%arg0: i32) -> (i32, i32) {
    %c0_i32 = arith.constant 0 : i32
    %c0_i32_0 = arith.constant 0 : i32
    %c0_i32_1 = arith.constant 0 : i32
    return %c0_i32, %c0_i32_0 : i32, i32
  }
  func.func @transform_8(%arg0: i32) -> (i32, i32) {
    %c0_i32 = arith.constant 0 : i32
    %c0_i32_0 = arith.constant 0 : i32
    %c0_i32_1 = arith.constant 0 : i32
    return %c0_i32, %c0_i32_0 : i32, i32
  }
  func.func @transform_9(%arg0: i32) -> (i32, i32) {
    %c0_i32 = arith.constant 0 : i32
    %c0_i32_0 = arith.constant 0 : i32
    %c0_i32_1 = arith.constant 0 : i32
    return %c0_i32, %c0_i32_0 : i32, i32
  }
  func.func @transform_10(%arg0: i32) -> (i32, i32) {
    %c0_i32 = arith.constant 0 : i32
    %c0_i32_0 = arith.constant 0 : i32
    %c0_i32_1 = arith.constant 0 : i32
    return %c0_i32, %c0_i32_0 : i32, i32
  }
  func.func @transform_11(%arg0: i32) -> (i32, i32) {
    %c0_i32 = arith.constant 0 : i32
    %c0_i32_0 = arith.constant 0 : i32
    %c0_i32_1 = arith.constant 0 : i32
    return %c0_i32, %c0_i32_0 : i32, i32
  }
  func.func @transform_12(%arg0: i32) -> (i32, i32) {
    %c0_i32 = arith.constant 0 : i32
    %c0_i32_0 = arith.constant 0 : i32
    %c0_i32_1 = arith.constant 0 : i32
    return %c0_i32, %c0_i32_0 : i32, i32
  }
  func.func @transform_13(%arg0: i32) -> (i32, i32) {
    %c0_i32 = arith.constant 0 : i32
    %c0_i32_0 = arith.constant 0 : i32
    %c0_i32_1 = arith.constant 0 : i32
    return %c0_i32, %c0_i32_0 : i32, i32
  }
  func.func @transform_14(%arg0: i32) -> (i32, i32) {
    %c0_i32 = arith.constant 0 : i32
    %c0_i32_0 = arith.constant 0 : i32
    %c0_i32_1 = arith.constant 0 : i32
    return %c0_i32, %c0_i32_0 : i32, i32
  }
  func.func @transform_15(%arg0: i32) -> (i32, i32) {
    %c0_i32 = arith.constant 0 : i32
    %c0_i32_0 = arith.constant 0 : i32
    return %arg0, %c0_i32 : i32, i32
  }
}

</mosaic_0001>

<sc_bundles>
// kernel: kernel.4.cloned.1.call-start
scs
__scs_entry_jumppad:
0x0: {  	(pc) =	sbr.rel $0x88, $3  }
0x1: {  	(tag) =	ssettag $0x0;
	lr =	simm.s32 $0x1  }
0x2: {  	[smem:$0x3F91] =	sst lr;
	_ =	strace $0xD0000000  }
0x3: {  	_ = 	snop  }
0x4: {  	_ = 	snop  }
0x5: {  	_ = 	snop  }
0x6: {  	_ = 	snop  }
0x7: {  	_ = 	snop  }
__scs_overlays_trampoline_lowered:
0x8: {  	[smem:$0x3FA0] =	sst s0  }
0x9: {  	[smem:$0x3FA1] =	sst s1  }
0xa: {  	[smem:$0x3FA2] =	sst s2  }
0xb: {  	[smem:$0x3FA3] =	sst s3  }
0xc: {  	[smem:$0x3FA4] =	sst s4  }
0xd: {  	[smem:$0x3FA5] =	sst s5  }
0xe: {  	[smem:$0x3FA6] =	sst s6  }
0xf: {  	[smem:$0x3FA7] =	sst s7  }
0x10: {  	[smem:$0x3FA8] =	sst s8  }
0x11: {  	[smem:$0x3FA9] =	sst s9;
	s0 =	simm.s32 @!p0 $0x0  }
0x12: {  	s1 =	sld [smem:$0x3F8F];
	s0 =	simm.s32 @p0 $0x1  }
0x13: {  	[smem:$0x3FAA] =	sst s0;
	s0 =	simm.s32 @!p1 $0x0  }
0x14: {  	s2 =	sld [smem:$0x3F8E];
	s0 =	simm.s32 @p1 $0x1  }
0x15: {  	[smem:$0x3FAB] =	sst s0;
	s0 =	simm.s32 @!p2 $0x0  }
0x16: {  	s3 =	sld [smem:$0x3FDB];
	s0 =	simm.s32 @p2 $0x1  }
0x17: {  	s4 =	simm.s32 $0x1BF5;
	[smem:$0x3FAD] =	sst s0  }
0x18: {  	s0 =	sld [smem:$0x3F90];
	_ =	swait.ge [sflag:s4], $0x0  }
0x19: {  	s7 =	sld [smem:$0x3F91]  }
0x1a: {  	s8 =	sadd.s32 $0xFFFFE003, lr  }
0x1b: {  	s9 =	sadd.s32 $0xFFFFFEF7, lr;
	s5 =	simm.s32 $0xFFFFFFFF;
	p2 =	slt.u32 s8, $0xFFFFF086  }
0x1c: {  	p1 =	slt.u32 s9, $0xF7A;
	s5 =	simm.s32 @!p2 $0x0  }
0x1d: {  	s5 =	simm.s32 @p1 $0x1;
	p0 =	seq.s32 s7, s2  }
0x1e: {  	s7 =	smul.u32 @!p0 $0xF7A, s2;
	p2 =	seq.s32 @!p0 s5, $0x0  }
0x1f: {  	s9 =	smul.u32 $0xF7A, s1;
	s8 =	simm.s32 @!p0 $0x1BF5;
	p2 =	por !p2, p0  }
0x20: {  	[sflag:s8] =	ssyncset.s32 @!p0 $0xFFFFF086;
	s6 =	sadd.s32 @!p0 s3, s7;
	s7 =	simm.s32 @!p0 $0x108  }
0x21: {  	s3 =	sadd.s32 s3, s9;
	s6 =	sadd.s32 @!p0 $0x88, s6;
	s7 =	simm.s32 @p2 $0x1082  }
0x22: {  	[simem:s7], [sflag:s8] =	dma.local @!p0 [hbm:s6], $0xF7A  }
0x23: {  	s9 =	sor.u32 $0xD0000000, s2;
	s6 =	simm.s32 $0x108;
	_ =	swait.ge @!p0 [sflag:s8], $0x0  }
0x24: {  	s3 =	sadd.s32 $0x88, s3;
	s6 =	simm.s32 @!p1 $0x1082;
	[sflag:s4] =	ssyncset.s32 $0xFFFFF086  }
0x25: {  	[simem:s6], [sflag:s4] =	dma.local [hbm:s3], $0xF7A  }
0x26: {  	[smem:$0x3F91] =	sst s1;
	(tag) =	ssettag s2;
	_ =	strace s9  }
0x27: {  	s1 =	sld [smem:$0x3FA1]  }
0x28: {  	s2 =	sld [smem:$0x3FA2]  }
0x29: {  	s4 =	sld [smem:$0x3FA4]  }
0x2a: {  	p0 =	seq.s32 s5, $0x0;
	s5 =	sld [smem:$0x3FA5]  }
0x2b: {  	s6 =	sld [smem:$0x3FA6]  }
0x2c: {  	s7 =	sld [smem:$0x3FA7]  }
0x2d: {  	s3 =	simm.s32 $0x108;
	s8 =	sld [smem:$0x3FA8]  }
0x2e: {  	s3 =	simm.s32 @!p0 $0x1082;
	s9 =	sld [smem:$0x3FA9]  }
0x2f: {  	lr =	sadd.s32 s0, s3;
	s0 =	sld [smem:$0x3FA0]  }
0x30: {  	s3 =	sld [smem:$0x3FA3]  }
0x31: {  	[smem:$0x3FAC] =	sst s10  }
0x32: {  	s10 =	sld [smem:$0x3FAA];
	_ =	sdelay $0x3  }
0x33: {  	p0 =	seq.s32 s10, $0x1;
	s10 =	sld [smem:$0x3FAC];
	_ =	sdelay $0x3  }
0x34: {  	[smem:$0x3FAC] =	sst s10  }
0x35: {  	s10 =	sld [smem:$0x3FAB];
	_ =	sdelay $0x3  }
0x36: {  	p1 =	seq.s32 s10, $0x1;
	s10 =	sld [smem:$0x3FAC];
	_ =	sdelay $0x3  }
0x37: {  	[smem:$0x3FAC] =	sst s10  }
0x38: {  	s10 =	sld [smem:$0x3FAD]  }
0x39: {  	_ = 	snop;
	(pc) =	sbr.ind lr, $3  }
0x3a: {  	_ = 	snop  }
0x3b: {  	_ = 	snop  }
0x3c: {  	p2 =	seq.s32 s10, $0x1;
	s10 =	sld [smem:$0x3FAC]  }
0x3d: {  	_ =	shalt  }
0x3e: {  	_ =	shalt  }
0x3f: {  	_ =	shalt  }
0x40: {  	_ =	shalt  }
0x41: {  	_ =	shalt  }
0x42: {  	_ =	shalt  }
0x43: {  	_ =	shalt  }
0x44: {  	_ =	shalt  }
0x45: {  	_ =	shalt  }
0x46: {  	_ =	shalt  }
0x47: {  	_ =	shalt  }
0x48: {  	_ =	shalt  }
0x49: {  	_ =	shalt  }
0x4a: {  	_ =	shalt  }
0x4b: {  	_ =	shalt  }
0x4c: {  	_ =	shalt  }
0x4d: {  	_ =	shalt  }
0x4e: {  	_ =	shalt  }
0x4f: {  	_ =	shalt  }
0x50: {  	_ =	shalt  }
0x51: {  	_ =	shalt  }
0x52: {  	_ =	shalt  }
0x53: {  	_ =	shalt  }
0x54: {  	_ =	shalt  }
0x55: {  	_ =	shalt  }
0x56: {  	_ =	shalt  }
0x57: {  	_ =	shalt  }
0x58: {  	_ =	shalt  }
0x59: {  	_ =	shalt  }
0x5a: {  	_ =	shalt  }
0x5b: {  	_ =	shalt  }
0x5c: {  	_ =	shalt  }
0x5d: {  	_ =	shalt  }
0x5e: {  	_ =	shalt  }
0x5f: {  	_ =	shalt  }
0x60: {  	_ =	shalt  }
0x61: {  	_ =	shalt  }
0x62: {  	_ =	shalt  }
0x63: {  	_ =	shalt  }
0x64: {  	_ =	shalt  }
0x65: {  	_ =	shalt  }
0x66: {  	_ =	shalt  }
0x67: {  	_ =	shalt  }
0x68: {  	_ =	shalt  }
0x69: {  	_ =	shalt  }
0x6a: {  	_ =	shalt  }
0x6b: {  	_ =	shalt  }
0x6c: {  	_ =	shalt  }
0x6d: {  	_ =	shalt  }
0x6e: {  	_ =	shalt  }
0x6f: {  	_ =	shalt  }
0x70: {  	_ =	shalt  }
0x71: {  	_ =	shalt  }
0x72: {  	_ =	shalt  }
0x73: {  	_ =	shalt  }
0x74: {  	_ =	shalt  }
0x75: {  	_ =	shalt  }
0x76: {  	_ =	shalt  }
0x77: {  	_ =	shalt  }
0x78: {  	_ =	shalt  }
0x79: {  	_ =	shalt  }
0x7a: {  	_ =	shalt  }
0x7b: {  	_ =	shalt  }
0x7c: {  	_ =	shalt  }
0x7d: {  	_ =	shalt  }
0x7e: {  	_ =	shalt  }
0x7f: {  	_ =	shalt  }
0x80: {  	_ =	shalt  }
0x81: {  	_ =	shalt  }
0x82: {  	_ =	shalt  }
0x83: {  	_ =	shalt  }
0x84: {  	_ =	shalt  }
0x85: {  	_ =	shalt  }
0x86: {  	_ =	shalt  }
0x87: {  	_ =	shalt  }
.Lfunc_end0:
.L_simem_size_0:
called_computation_lowered:
.L_overlay_start_0:
0x88: {  	s2 =	sld [smem:$0x3FD9]  }
0x89: {  	s3 =	sld [smem:$0x3FFE];
	_ =	sdelay $0x1  }
0x8a: {  	s1 =	srdreg.scid  }
0x8b: {  	s0 =	sand.u32 $0x1, s1  }
0x8c: {  	s17 =	sshll.u32 s0, $0xA;
	s2 =	sadd.s32 s3, s2  }
0x8d: {  	s2 =	sadd.s32 s2, s17  }
0x8e: {  	[smem:$0x3FB8] =	sst s2  }
0x8f: {  	_ = 	snop  }
0x90: {  	s2 =	sld [smem:$0x3FC9]  }
0x91: {  	s18 =	sld [smem:$0x3FC5]  }
0x92: {  	s4 =	sld [smem:$0x3FC4]  }
0x93: {  	s5 =	sld [smem:$0x3FC0];
	(tm) =	ssettm $0x1  }
0x94: {  	s6 =	sld [smem:$0x3FFB];
	_ =	sdelay $0x3  }
0x95: {  	_ =	strace s6  }
0x96: {  	s6 =	sld [smem:$0x3FFC];
	_ =	sdelay $0x3  }
0x97: {  	_ =	strace s6  }
0x98: {  	s6 =	sld [smem:$0x3FFD];
	_ =	sdelay $0x3  }
0x99: {  	_ =	strace s6  }
0x9a: {  	_ =	strace $0x8FFFFFFF  }
0x9b: {  	s19 =	sld [smem:$0x3FDB];
	_ =	sdelay $0x1  }
0x9c: {  	s7 =	simm.s32 $_scs_section_size  }
0x9d: {  	s8 =	simm.s32 $_size__tile_overlayer_lowered;
	s9 =	simm.s32 $_tile_overlayer_lowered  }
0x9e: {  	s22 =	simm.s32 $0x1BFF;
	s21 =	sshll.u32 s9, $0x1;
	s6 =	sadd.s32 s7, s19  }
0x9f: {  	s10 =	simm.s32 $0x0;
	s20 =	sshll.u32 s8, $0x1;
	s8 =	sadd.s32 s21, s6  }
0xa0: {  	[timem:s10], [sflag:s22] =	dma.local [hbm:s8], s20  }
0xa1: {  	_ =	swait.ge [sflag:s22], s20  }
0xa2: {  	s7 =	ssub.s32 $0x0, s20;
	[sflag:s22] =	ssyncset.done $0x0  }
0xa3: {  	[sflag:s22] =	ssyncadd.s32 s7;
	_ =	sdelay $0x1  }
0xa4: {  	s23 =	simm.s32 $0x1B8B  }
0xa5: {  	_ =	swait.ge [sflag:s23], $0x1  }
0xa6: {  	[sflag:s23] =	ssyncset.done $0x0  }
0xa7: {  	s25 =	simm.s32 $0x1B8E;
	s24 =	sld [smem:$0x3FFE];
	[sflag:s23] =	ssyncadd.s32 $0xFFFFFFFF  }
0xa8: {  	s26 =	simm.s32 $execute0_lowered;
	[smem:$0x3FD2] =	sst s25  }
0xa9: {  	s8 =	sshll.u32 s26, $0x1;
	_ =	strace $0x80000046;
	[dreg:$0x1] =	wrdreg $0xFFFFFFFF  }
0xaa: {  	s28 =	simm.s32 $_size_execute0_lowered;
	s6 =	sadd.s32 s6, s8;
	[dreg:$0x0] =	wrdreg $0x0  }
0xab: {  	s8 =	sshll.u32 s28, $0x1;
	[dreg:$0x2] =	wrdreg s6  }
0xac: {  	[dreg:$0x3] =	wrdreg s8  }
0xad: {  	[dreg:$0x4] =	wrdreg $0xC0  }
0xae: {  	_ =	task [dreg:s10], $0x5FFFF  }
0xaf: {  	[dreg:$0x1] =	wrdreg $0xFFFFFFFF  }
0xb0: {  	[dreg:$0x0] =	wrdreg $0x60  }
0xb1: {  	[dreg:$0x2] =	wrdreg s2  }
0xb2: {  	[dreg:$0x3] =	wrdreg s18  }
0xb3: {  	[dreg:$0x4] =	wrdreg s4  }
0xb4: {  	[dreg:$0x5] =	wrdreg s5  }
0xb5: {  	[dreg:$0x6] =	wrdreg s24  }
0xb6: {  	[dreg:$0x7] =	wrdreg $0x9  }
0xb7: {  	_ =	task.clear_ibuf [dreg:s10], $0x8FFFF;
	_ =	strace $0x90000046  }
0xb8: {  	s29 =	simm.s32 $0x9;
	_ =	strace $0x80000048  }
0xb9: {  	_ =	swait.ge [sflag:s29], $0x1  }
0xba: {  	[sflag:s29] =	ssyncadd.s32 $0xFFFFFFFF  }
0xbb: {  	_ =	strace $0x90000048  }
0xbc: {  	_ =	sfence  }
0xbd: {  	s30 =	sld [smem:$0x0];
	_ =	sdelay $0x2  }
0xbe: {  	s31 =	sshll.u32 s1, $0xD;
	s1 =	sshrl.u32 s1, $0x2  }
0xbf: {  	s3 =	sand.u32 $0x4000, s31;
	s1 =	sadd.s32 s1, s30  }
0xc0: {  	s0 =	sor.u32 s3, s0;
	s1 =	sshll.u32 s1, $0x11  }
0xc1: {  	s0 =	sor.u32 s1, s0  }
0xc2: {  	s0 =	sadd.s32 $0x8F2B, s0  }
0xc3: {  	[sflag:s0] =	ssyncadd.remote.s32 $0x1  }
0xc4: {  	_ =	sfence.sel $0xFFFF  }
0xc5: {  	[dreg:$0x0] =	wrdreg $0xFFFFFFFF;
	(pc) =	sbr.abs _section_cstart, $3  }
0xc6: {  	[dreg:$0x1] =	wrdreg $0xFFFFFFFF  }
0xc7: {  	_ =	task.clear_ibuf [dreg:s10], $0x2FFFF;
	_ =	strace $0x9FFFFFFF  }
0xc8: {  	(tm) =	ssettm $0x7FFFFFFF  }
0xc9: {  	_ =	shalt  }
tec
execute0_lowered:
.L_overlay_start_1:
0x0: {  	(tag) =	ssettag $0x1  }
0x1: {  	s0 =	rddreg [dreg:$0x0]  }
0x2: {  	s1 =	rddreg [dreg:$0x1]  }
0x3: {  	s4 =	rddreg [dreg:$0x2];
	s2 =	srdreg.scid  }
0x4: {  	s6 =	rddreg [dreg:$0x3];
	s5 =	stileid.u32  }
0x5: {  	s3 =	rddreg [dreg:$0x4];
	s13 =	simm.s32 $0x0;
	s22 =	simm.s32 $0x4100  }
0x6: {  	s21 =	simm.s32 $0x1100;
	s20 =	simm.s32 $0x5100;
	s29 =	simm.s32 $0x40  }
0x7: {  	s19 =	simm.s32 $0x2100;
	s30 =	simm.s32 $0xC0;
	s15 =	simm.s32 $0x6100  }
0x8: {  	s31 =	simm.s32 $0x60;
	p0 =	por $0x0, $0x0;
	s17 =	simm.s32 $0x3100  }
0x9: {  	s28 =	simm.s32 $0xE0;
	s14 =	simm.s32 $0x7100;
	s2 =	sand.u32 $0x1, s2  }
0xa: {  	s16 =	simm.s32 $0x400;
	s5 =	sshll.u32 s5, $0x8;
	s7 =	sshll.u32 s2, $0x7  }
0xb: {  	s18 =	simm.s32 $0x800;
	[smem:$0x7FF] =	sst s13;
	s5 =	sor.u32 s7, s5  }
0xc: {  	_ =	strace $0x80000047;
	s2 =	ssub.s32 $0x2, s2;
	s7 =	sshll.u32 s5, $0x5  }
0xd: {  	s24 =	sshrl.u32 s2, $0x1;
	s5 =	sshrl.u32 s5, $0x3;
	s3 =	sadd.s32 s7, s3  }
0xe: {  	s0 =	sadd.s32 s0, s5;
	s23 =	sadd.s32 s1, s5;
	s1 =	ssub.s32 s2, s24  }
0xf: {  	s7 =	simm.s32 $0x1;
	s24 =	simm.s32 $0x20;
	s26 =	smax.u32 s1, $0x1  }
0x10: {  	s2 =	simm.s32 $0x2;
	[dreg:$0x6] =	wrdreg s0;
	p1 =	sne.s32 s26, $0x1  }
.Ltmp0:
0x11: {  	[dreg:$0x7] =	wrdreg s23;
	s25 =	sadd.s32 $0x2000, s3;
	(pc) =	sbr.rel @!p1 .LBB2_1-.Ltmp0, $4  }
0x12: {  	s12 =	sadd.s32 $0x2080, s3;
	s11 =	sadd.s32 $0x2400, s3;
	s10 =	sadd.s32 $0x2480, s3  }
0x13: {  	s9 =	sadd.s32 $0x2800, s3;
	s8 =	sadd.s32 $0x2880, s3;
	s5 =	sadd.s32 $0x2C00, s3  }
0x14: {  	s3 =	sadd.s32 $0x2C80, s3;
	s23 =	simm.s32 $0x100;
	[dreg:$0x8] =	wrdreg s25  }
0x15: {  	s25 =	simm.s32 $0x80;
	s26 =	sadd.s32 $0xFFFFFFFF, s26;
	s0 =	rddreg [dreg:$0x6]  }
0x16: {  	[tilespmem:s13], [sflag:$0x1] =	stream.linear.gather [hbm4b:s0+s13], $0x80, $0x38;
	[tilespmem:$0x8100] =	vst v63  }
0x17: {  	s1 =	rddreg [dreg:$0x7]  }
0x18: {  	[tilespmem:s25], [sflag:$0x1] =	stream.linear.gather [hbm4b:s1+s13], $0x80, $0x38;
	[tilespmem:$0x8100] =	vst v63  }
0x19: {  	_ =	swait.ge [sflag:s7], $0x80  }
0x1a: {  	[sflag:s7] =	ssyncset.done $0x0  }
0x1b: {  	[sflag:s7] =	ssyncadd.s32 $0xFFFFFF80  }
0x1c: {  	_ =	swait.ge [sflag:s7], $0x80  }
0x1d: {  	[sflag:s7] =	ssyncset.done $0x0  }
0x1e: {  	[sflag:s7] =	ssyncadd.s32 $0xFFFFFF80  }
0x1f: {  	[tilespmem:s23], [sflag:$0x1] =	stream.indirect.gather [hbm4b:s4+s24], $0x80, s13, s24, $0xb8;
	[tilespmem:$0x8100] =	vst v63  }
0x20: {  	_ = 	snop  }
0x21: {  	[tilespmem:s22], [sflag:$0x1] =	stream.indirect.gather [hbm4b:s6+s24], $0x80, s25, s24, $0xb8;
	[tilespmem:$0x8100] =	vst v63  }
0x22: {  	_ = 	snop  }
0x23: {  	[tilespmem:s21], [sflag:$0x1] =	stream.indirect.gather [hbm4b:s4+s24], $0x80, s24, s24, $0xb8;
	[tilespmem:$0x8100] =	vst v63  }
0x24: {  	s1 =	simm.s32 $0xA0  }
0x25: {  	[tilespmem:s20], [sflag:$0x1] =	stream.indirect.gather [hbm4b:s6+s24], $0x80, s1, s24, $0xb8;
	[tilespmem:$0x8100] =	vst v63  }
0x26: {  	_ = 	snop  }
0x27: {  	[tilespmem:s19], [sflag:$0x1] =	stream.indirect.gather [hbm4b:s4+s24], $0x80, s29, s24, $0xb8;
	[tilespmem:$0x8100] =	vst v63  }
0x28: {  	_ = 	snop  }
0x29: {  	[tilespmem:s15], [sflag:$0x1] =	stream.indirect.gather [hbm4b:s6+s24], $0x80, s30, s24, $0xb8;
	[tilespmem:$0x8100] =	vst v63  }
0x2a: {  	_ = 	snop  }
0x2b: {  	[tilespmem:s17], [sflag:$0x1] =	stream.indirect.gather [hbm4b:s4+s24], $0x80, s31, s24, $0xb8;
	[tilespmem:$0x8100] =	vst v63  }
0x2c: {  	_ = 	snop  }
0x2d: {  	[tilespmem:s14], [sflag:$0x1] =	stream.indirect.gather [hbm4b:s6+s24], $0x80, s28, s24, $0xb8;
	[tilespmem:$0x8100] =	vst v63  }
0x2e: {  	_ =	swait.ge [sflag:s7], $0x1000  }
0x2f: {  	[sflag:s7] =	ssyncset.done $0x0  }
0x30: {  	s1 =	rddreg [dreg:$0x8];
	[sflag:s7] =	ssyncadd.s32 $0xFFFFF000  }
0x31: {  	[hbm4b:s1+s16] =	stream.strided.scatter [tilespmem:s23], [sflag:$0x2], $0x1000, s18, s16, $0x38;
	[tilespmem:$0x8100] =	vst v63  }
0x32: {  	_ =	swait.ge [sflag:s7], $0x1000  }
0x33: {  	[sflag:s7] =	ssyncset.done $0x0  }
0x34: {  	[sflag:s7] =	ssyncadd.s32 $0xFFFFF000  }
0x35: {  	[hbm4b:s12+s16] =	stream.strided.scatter [tilespmem:s22], [sflag:$0x2], $0x1000, s18, s16, $0x38;
	[tilespmem:$0x8100] =	vst v63  }
0x36: {  	_ =	swait.ge [sflag:s7], $0x1000  }
0x37: {  	[sflag:s7] =	ssyncset.done $0x0  }
0x38: {  	[sflag:s7] =	ssyncadd.s32 $0xFFFFF000  }
0x39: {  	[hbm4b:s11+s16] =	stream.strided.scatter [tilespmem:s21], [sflag:$0x2], $0x1000, s18, s16, $0x38;
	[tilespmem:$0x8100] =	vst v63  }
0x3a: {  	_ =	swait.ge [sflag:s7], $0x1000  }
0x3b: {  	[sflag:s7] =	ssyncset.done $0x0  }
0x3c: {  	[sflag:s7] =	ssyncadd.s32 $0xFFFFF000  }
0x3d: {  	[hbm4b:s10+s16] =	stream.strided.scatter [tilespmem:s20], [sflag:$0x2], $0x1000, s18, s16, $0x38;
	[tilespmem:$0x8100] =	vst v63  }
0x3e: {  	_ =	swait.ge [sflag:s7], $0x1000  }
0x3f: {  	[sflag:s7] =	ssyncset.done $0x0  }
0x40: {  	[sflag:s7] =	ssyncadd.s32 $0xFFFFF000  }
0x41: {  	[hbm4b:s9+s16] =	stream.strided.scatter [tilespmem:s19], [sflag:$0x2], $0x1000, s18, s16, $0x38;
	[tilespmem:$0x8100] =	vst v63  }
0x42: {  	_ =	swait.ge [sflag:s7], $0x1000  }
0x43: {  	[sflag:s7] =	ssyncset.done $0x0  }
0x44: {  	[sflag:s7] =	ssyncadd.s32 $0xFFFFF000  }
0x45: {  	[hbm4b:s8+s16] =	stream.strided.scatter [tilespmem:s15], [sflag:$0x2], $0x1000, s18, s16, $0x38;
	[tilespmem:$0x8100] =	vst v63  }
0x46: {  	_ =	swait.ge [sflag:s7], $0x1000  }
0x47: {  	[sflag:s7] =	ssyncset.done $0x0  }
0x48: {  	[sflag:s7] =	ssyncadd.s32 $0xFFFFF000  }
0x49: {  	[hbm4b:s5+s16] =	stream.strided.scatter [tilespmem:s17], [sflag:$0x2], $0x1000, s18, s16, $0x38;
	[tilespmem:$0x8100] =	vst v63  }
0x4a: {  	_ =	swait.ge [sflag:s7], $0x1000  }
0x4b: {  	[sflag:s7] =	ssyncset.done $0x0  }
0x4c: {  	[sflag:s7] =	ssyncadd.s32 $0xFFFFF000  }
0x4d: {  	[hbm4b:s3+s16] =	stream.strided.scatter [tilespmem:s14], [sflag:$0x2], $0x1000, s18, s16, $0x38;
	[tilespmem:$0x8100] =	vst v63  }
0x4e: {  	_ =	swait.ge [sflag:s2], $0x1000  }
0x4f: {  	[sflag:s2] =	ssyncset.done $0x0  }
0x50: {  	[sflag:s2] =	ssyncadd.s32 $0xFFFFF000  }
0x51: {  	_ =	swait.ge [sflag:s2], $0x1000  }
0x52: {  	[sflag:s2] =	ssyncset.done $0x0  }
0x53: {  	[sflag:s2] =	ssyncadd.s32 $0xFFFFF000  }
0x54: {  	_ =	swait.ge [sflag:s2], $0x1000  }
0x55: {  	[sflag:s2] =	ssyncset.done $0x0  }
0x56: {  	[sflag:s2] =	ssyncadd.s32 $0xFFFFF000  }
0x57: {  	_ =	swait.ge [sflag:s2], $0x1000  }
0x58: {  	[sflag:s2] =	ssyncset.done $0x0  }
0x59: {  	[sflag:s2] =	ssyncadd.s32 $0xFFFFF000  }
0x5a: {  	_ =	swait.ge [sflag:s2], $0x1000  }
0x5b: {  	[sflag:s2] =	ssyncset.done $0x0  }
0x5c: {  	[sflag:s2] =	ssyncadd.s32 $0xFFFFF000  }
0x5d: {  	_ =	swait.ge [sflag:s2], $0x1000  }
0x5e: {  	[sflag:s2] =	ssyncset.done $0x0  }
0x5f: {  	p1 =	sne.s32 s26, $0x1;
	[sflag:s2] =	ssyncadd.s32 $0xFFFFF000  }
.Ltmp1:
0x60: {  	_ =	swait.ge [sflag:s2], $0x1000;
	(pc) =	sbr.rel @!p1 .LBB2_3-.Ltmp1, $4  }
0x61: {  	[sflag:s2] =	ssyncset.done $0x0  }
0x62: {  	[sflag:s2] =	ssyncadd.s32 $0xFFFFF000  }
0x63: {  	p0 =	por $0x1, $0x1;
	_ =	swait.ge [sflag:s2], $0x1000  }
0x64: {  	s1 =	sadd.s32 $0xFFFFFFFF, s26;
	s0 =	rddreg [dreg:$0x6];
	[sflag:s2] =	ssyncset.done $0x0  }
.LBB2_4:
0x65: {  	[sflag:s2] =	ssyncadd.s32 $0xFFFFF000  }
0x66: {  	[tilespmem:s13], [sflag:$0x1] =	stream.linear.gather [hbm4b:s0+s13], $0x80, $0x38;
	[tilespmem:$0x8100] =	vst v63  }
0x67: {  	s26 =	rddreg [dreg:$0x7]  }
0x68: {  	[tilespmem:s25], [sflag:$0x1] =	stream.linear.gather [hbm4b:s26+s13], $0x80, $0x38;
	[tilespmem:$0x8100] =	vst v63  }
0x69: {  	_ =	swait.ge [sflag:s7], $0x80  }
0x6a: {  	[sflag:s7] =	ssyncset.done $0x0  }
0x6b: {  	[sflag:s7] =	ssyncadd.s32 $0xFFFFFF80  }
0x6c: {  	_ =	swait.ge [sflag:s7], $0x80  }
0x6d: {  	[sflag:s7] =	ssyncset.done $0x0  }
0x6e: {  	[sflag:s7] =	ssyncadd.s32 $0xFFFFFF80  }
0x6f: {  	[tilespmem:s23], [sflag:$0x1] =	stream.indirect.gather [hbm4b:s4+s24], $0x80, s13, s24, $0xb8;
	[tilespmem:$0x8100] =	vst v63  }
0x70: {  	_ = 	snop  }
0x71: {  	[tilespmem:s22], [sflag:$0x1] =	stream.indirect.gather [hbm4b:s6+s24], $0x80, s25, s24, $0xb8;
	[tilespmem:$0x8100] =	vst v63  }
0x72: {  	_ = 	snop  }
0x73: {  	[tilespmem:s21], [sflag:$0x1] =	stream.indirect.gather [hbm4b:s4+s24], $0x80, s24, s24, $0xb8;
	[tilespmem:$0x8100] =	vst v63  }
0x74: {  	s26 =	simm.s32 $0xA0  }
0x75: {  	[tilespmem:s20], [sflag:$0x1] =	stream.indirect.gather [hbm4b:s6+s24], $0x80, s26, s24, $0xb8;
	[tilespmem:$0x8100] =	vst v63  }
0x76: {  	_ = 	snop  }
0x77: {  	[tilespmem:s19], [sflag:$0x1] =	stream.indirect.gather [hbm4b:s4+s24], $0x80, s29, s24, $0xb8;
	[tilespmem:$0x8100] =	vst v63  }
0x78: {  	_ = 	snop  }
0x79: {  	[tilespmem:s15], [sflag:$0x1] =	stream.indirect.gather [hbm4b:s6+s24], $0x80, s30, s24, $0xb8;
	[tilespmem:$0x8100] =	vst v63  }
0x7a: {  	_ = 	snop  }
0x7b: {  	[tilespmem:s17], [sflag:$0x1] =	stream.indirect.gather [hbm4b:s4+s24], $0x80, s31, s24, $0xb8;
	[tilespmem:$0x8100] =	vst v63  }
0x7c: {  	_ = 	snop  }
0x7d: {  	[tilespmem:s14], [sflag:$0x1] =	stream.indirect.gather [hbm4b:s6+s24], $0x80, s28, s24, $0xb8;
	[tilespmem:$0x8100] =	vst v63  }
0x7e: {  	_ =	swait.ge [sflag:s7], $0x1000  }
0x7f: {  	[sflag:s7] =	ssyncset.done $0x0  }
0x80: {  	s26 =	rddreg [dreg:$0x8];
	[sflag:s7] =	ssyncadd.s32 $0xFFFFF000  }
0x81: {  	[hbm4b:s26+s16] =	stream.strided.scatter [tilespmem:s23], [sflag:$0x2], $0x1000, s18, s16, $0x38;
	[tilespmem:$0x8100] =	vst v63  }
0x82: {  	_ =	swait.ge [sflag:s7], $0x1000  }
0x83: {  	[sflag:s7] =	ssyncset.done $0x0  }
0x84: {  	[sflag:s7] =	ssyncadd.s32 $0xFFFFF000  }
0x85: {  	[hbm4b:s12+s16] =	stream.strided.scatter [tilespmem:s22], [sflag:$0x2], $0x1000, s18, s16, $0x38;
	[tilespmem:$0x8100] =	vst v63  }
0x86: {  	_ =	swait.ge [sflag:s7], $0x1000  }
0x87: {  	[sflag:s7] =	ssyncset.done $0x0  }
0x88: {  	[sflag:s7] =	ssyncadd.s32 $0xFFFFF000  }
0x89: {  	[hbm4b:s11+s16] =	stream.strided.scatter [tilespmem:s21], [sflag:$0x2], $0x1000, s18, s16, $0x38;
	[tilespmem:$0x8100] =	vst v63  }
0x8a: {  	_ =	swait.ge [sflag:s7], $0x1000  }
0x8b: {  	[sflag:s7] =	ssyncset.done $0x0  }
0x8c: {  	[sflag:s7] =	ssyncadd.s32 $0xFFFFF000  }
0x8d: {  	[hbm4b:s10+s16] =	stream.strided.scatter [tilespmem:s20], [sflag:$0x2], $0x1000, s18, s16, $0x38;
	[tilespmem:$0x8100] =	vst v63  }
0x8e: {  	_ =	swait.ge [sflag:s7], $0x1000  }
0x8f: {  	[sflag:s7] =	ssyncset.done $0x0  }
0x90: {  	[sflag:s7] =	ssyncadd.s32 $0xFFFFF000  }
0x91: {  	[hbm4b:s9+s16] =	stream.strided.scatter [tilespmem:s19], [sflag:$0x2], $0x1000, s18, s16, $0x38;
	[tilespmem:$0x8100] =	vst v63  }
0x92: {  	_ =	swait.ge [sflag:s7], $0x1000  }
0x93: {  	[sflag:s7] =	ssyncset.done $0x0  }
0x94: {  	[sflag:s7] =	ssyncadd.s32 $0xFFFFF000  }
0x95: {  	[hbm4b:s8+s16] =	stream.strided.scatter [tilespmem:s15], [sflag:$0x2], $0x1000, s18, s16, $0x38;
	[tilespmem:$0x8100] =	vst v63  }
0x96: {  	_ =	swait.ge [sflag:s7], $0x1000  }
0x97: {  	[sflag:s7] =	ssyncset.done $0x0  }
0x98: {  	[sflag:s7] =	ssyncadd.s32 $0xFFFFF000  }
0x99: {  	[hbm4b:s5+s16] =	stream.strided.scatter [tilespmem:s17], [sflag:$0x2], $0x1000, s18, s16, $0x38;
	[tilespmem:$0x8100] =	vst v63  }
0x9a: {  	_ =	swait.ge [sflag:s7], $0x1000  }
0x9b: {  	[sflag:s7] =	ssyncset.done $0x0  }
0x9c: {  	[sflag:s7] =	ssyncadd.s32 $0xFFFFF000  }
0x9d: {  	[hbm4b:s3+s16] =	stream.strided.scatter [tilespmem:s14], [sflag:$0x2], $0x1000, s18, s16, $0x38;
	[tilespmem:$0x8100] =	vst v63  }
0x9e: {  	_ =	swait.ge [sflag:s2], $0x1000  }
0x9f: {  	[sflag:s2] =	ssyncset.done $0x0  }
0xa0: {  	[sflag:s2] =	ssyncadd.s32 $0xFFFFF000  }
0xa1: {  	_ =	swait.ge [sflag:s2], $0x1000  }
0xa2: {  	[sflag:s2] =	ssyncset.done $0x0  }
0xa3: {  	[sflag:s2] =	ssyncadd.s32 $0xFFFFF000  }
0xa4: {  	_ =	swait.ge [sflag:s2], $0x1000  }
0xa5: {  	[sflag:s2] =	ssyncset.done $0x0  }
0xa6: {  	[sflag:s2] =	ssyncadd.s32 $0xFFFFF000  }
0xa7: {  	_ =	swait.ge [sflag:s2], $0x1000  }
0xa8: {  	[sflag:s2] =	ssyncset.done $0x0  }
0xa9: {  	[sflag:s2] =	ssyncadd.s32 $0xFFFFF000  }
0xaa: {  	_ =	swait.ge [sflag:s2], $0x1000  }
0xab: {  	[sflag:s2] =	ssyncset.done $0x0  }
0xac: {  	[sflag:s2] =	ssyncadd.s32 $0xFFFFF000  }
0xad: {  	_ =	swait.ge [sflag:s2], $0x1000  }
0xae: {  	[sflag:s2] =	ssyncset.done $0x0  }
0xaf: {  	p1 =	sne.s32 s1, $0x1;
	[sflag:s2] =	ssyncadd.s32 $0xFFFFF000  }
.Ltmp2:
0xb0: {  	_ =	swait.ge [sflag:s2], $0x1000;
	(pc) =	sbr.rel @p1 .LBB2_4-.Ltmp2, $4  }
0xb1: {  	[sflag:s2] =	ssyncset.done $0x0  }
0xb2: {  	[sflag:s2] =	ssyncadd.s32 $0xFFFFF000  }
0xb3: {  	_ =	swait.ge [sflag:s2], $0x1000  }
0xb4: {  	s1 =	sadd.s32 $0xFFFFFFFF, s1;
	s0 =	rddreg [dreg:$0x6];
	[sflag:s2] =	ssyncset.done $0x0  }
0xb5: {  	s26 =	simm.s32 $0xE0;
	s31 =	simm.s32 $0x60  }
0xb6: {  	s30 =	simm.s32 $0xC0;
	s29 =	simm.s32 $0x40;
	s28 =	simm.s32 $0xA0  }
.LBB2_6:
0xb7: {  	[sflag:s2] =	ssyncadd.s32 @p0 $0xFFFFF000  }
0xb8: {  	[tilespmem:s13], [sflag:$0x1] =	stream.linear.gather [hbm4b:s0+s13], $0x80, $0x38;
	[tilespmem:$0x8100] =	vst v63  }
0xb9: {  	s1 =	rddreg [dreg:$0x7]  }
0xba: {  	[tilespmem:s25], [sflag:$0x1] =	stream.linear.gather [hbm4b:s1+s13], $0x80, $0x38;
	[tilespmem:$0x8100] =	vst v63  }
0xbb: {  	_ =	swait.ge [sflag:s7], $0x80  }
0xbc: {  	[sflag:s7] =	ssyncset.done $0x0  }
0xbd: {  	[sflag:s7] =	ssyncadd.s32 $0xFFFFFF80  }
0xbe: {  	_ =	swait.ge [sflag:s7], $0x80  }
0xbf: {  	[sflag:s7] =	ssyncset.done $0x0  }
0xc0: {  	[sflag:s7] =	ssyncadd.s32 $0xFFFFFF80  }
0xc1: {  	[tilespmem:s23], [sflag:$0x1] =	stream.indirect.gather [hbm4b:s4+s24], $0x80, s13, s24, $0xb8;
	[tilespmem:$0x8100] =	vst v63  }
0xc2: {  	_ = 	snop  }
0xc3: {  	[tilespmem:s22], [sflag:$0x1] =	stream.indirect.gather [hbm4b:s6+s24], $0x80, s25, s24, $0xb8;
	[tilespmem:$0x8100] =	vst v63  }
0xc4: {  	_ = 	snop  }
0xc5: {  	[tilespmem:s21], [sflag:$0x1] =	stream.indirect.gather [hbm4b:s4+s24], $0x80, s24, s24, $0xb8;
	[tilespmem:$0x8100] =	vst v63  }
0xc6: {  	_ = 	snop  }
0xc7: {  	[tilespmem:s20], [sflag:$0x1] =	stream.indirect.gather [hbm4b:s6+s24], $0x80, s28, s24, $0xb8;
	[tilespmem:$0x8100] =	vst v63  }
0xc8: {  	_ = 	snop  }
0xc9: {  	[tilespmem:s19], [sflag:$0x1] =	stream.indirect.gather [hbm4b:s4+s24], $0x80, s29, s24, $0xb8;
	[tilespmem:$0x8100] =	vst v63  }
0xca: {  	_ = 	snop  }
0xcb: {  	[tilespmem:s15], [sflag:$0x1] =	stream.indirect.gather [hbm4b:s6+s24], $0x80, s30, s24, $0xb8;
	[tilespmem:$0x8100] =	vst v63  }
0xcc: {  	_ = 	snop  }
0xcd: {  	[tilespmem:s17], [sflag:$0x1] =	stream.indirect.gather [hbm4b:s4+s24], $0x80, s31, s24, $0xb8;
	[tilespmem:$0x8100] =	vst v63  }
0xce: {  	_ = 	snop  }
0xcf: {  	[tilespmem:s14], [sflag:$0x1] =	stream.indirect.gather [hbm4b:s6+s24], $0x80, s26, s24, $0xb8;
	[tilespmem:$0x8100] =	vst v63  }
0xd0: {  	_ =	swait.ge [sflag:s7], $0x1000  }
0xd1: {  	[sflag:s7] =	ssyncset.done $0x0  }
0xd2: {  	s30 =	rddreg [dreg:$0x8];
	[sflag:s7] =	ssyncadd.s32 $0xFFFFF000  }
0xd3: {  	[hbm4b:s30+s16] =	stream.strided.scatter [tilespmem:s23], [sflag:$0x2], $0x1000, s18, s16, $0x38;
	[tilespmem:$0x8100] =	vst v63  }
0xd4: {  	_ =	swait.ge [sflag:s7], $0x1000  }
0xd5: {  	[sflag:s7] =	ssyncset.done $0x0  }
0xd6: {  	[sflag:s7] =	ssyncadd.s32 $0xFFFFF000  }
0xd7: {  	[hbm4b:s12+s16] =	stream.strided.scatter [tilespmem:s22], [sflag:$0x2], $0x1000, s18, s16, $0x38;
	[tilespmem:$0x8100] =	vst v63  }
0xd8: {  	_ =	swait.ge [sflag:s7], $0x1000  }
0xd9: {  	[sflag:s7] =	ssyncset.done $0x0  }
0xda: {  	[sflag:s7] =	ssyncadd.s32 $0xFFFFF000  }
0xdb: {  	[hbm4b:s11+s16] =	stream.strided.scatter [tilespmem:s21], [sflag:$0x2], $0x1000, s18, s16, $0x38;
	[tilespmem:$0x8100] =	vst v63  }
0xdc: {  	_ =	swait.ge [sflag:s7], $0x1000  }
0xdd: {  	[sflag:s7] =	ssyncset.done $0x0  }
0xde: {  	[sflag:s7] =	ssyncadd.s32 $0xFFFFF000  }
0xdf: {  	[hbm4b:s10+s16] =	stream.strided.scatter [tilespmem:s20], [sflag:$0x2], $0x1000, s18, s16, $0x38;
	[tilespmem:$0x8100] =	vst v63  }
0xe0: {  	_ =	swait.ge [sflag:s7], $0x1000  }
0xe1: {  	[sflag:s7] =	ssyncset.done $0x0  }
0xe2: {  	[sflag:s7] =	ssyncadd.s32 $0xFFFFF000  }
0xe3: {  	[hbm4b:s9+s16] =	stream.strided.scatter [tilespmem:s19], [sflag:$0x2], $0x1000, s18, s16, $0x38;
	[tilespmem:$0x8100] =	vst v63  }
0xe4: {  	_ =	swait.ge [sflag:s7], $0x1000  }
0xe5: {  	[sflag:s7] =	ssyncset.done $0x0  }
0xe6: {  	[sflag:s7] =	ssyncadd.s32 $0xFFFFF000  }
0xe7: {  	[hbm4b:s8+s16] =	stream.strided.scatter [tilespmem:s15], [sflag:$0x2], $0x1000, s18, s16, $0x38;
	[tilespmem:$0x8100] =	vst v63  }
0xe8: {  	_ =	swait.ge [sflag:s7], $0x1000  }
0xe9: {  	[sflag:s7] =	ssyncset.done $0x0  }
0xea: {  	[sflag:s7] =	ssyncadd.s32 $0xFFFFF000  }
0xeb: {  	[hbm4b:s5+s16] =	stream.strided.scatter [tilespmem:s17], [sflag:$0x2], $0x1000, s18, s16, $0x38;
	[tilespmem:$0x8100] =	vst v63  }
0xec: {  	_ =	swait.ge [sflag:s7], $0x1000  }
0xed: {  	[sflag:s7] =	ssyncset.done $0x0  }
0xee: {  	[sflag:s7] =	ssyncadd.s32 $0xFFFFF000  }
0xef: {  	[hbm4b:s3+s16] =	stream.strided.scatter [tilespmem:s14], [sflag:$0x2], $0x1000, s18, s16, $0x38;
	[tilespmem:$0x8100] =	vst v63  }
0xf0: {  	_ =	swait.ge [sflag:s2], $0x1000  }
0xf1: {  	[sflag:s2] =	ssyncset.done $0x0  }
0xf2: {  	[sflag:s2] =	ssyncadd.s32 $0xFFFFF000  }
0xf3: {  	_ =	swait.ge [sflag:s2], $0x1000  }
0xf4: {  	[sflag:s2] =	ssyncset.done $0x0  }
0xf5: {  	[sflag:s2] =	ssyncadd.s32 $0xFFFFF000  }
0xf6: {  	_ =	swait.ge [sflag:s2], $0x1000  }
0xf7: {  	[sflag:s2] =	ssyncset.done $0x0  }
0xf8: {  	[sflag:s2] =	ssyncadd.s32 $0xFFFFF000  }
0xf9: {  	_ =	swait.ge [sflag:s2], $0x1000  }
0xfa: {  	[sflag:s2] =	ssyncset.done $0x0  }
0xfb: {  	[sflag:s2] =	ssyncadd.s32 $0xFFFFF000  }
0xfc: {  	_ =	swait.ge [sflag:s2], $0x1000  }
0xfd: {  	[sflag:s2] =	ssyncset.done $0x0  }
0xfe: {  	[sflag:s2] =	ssyncadd.s32 $0xFFFFF000  }
0xff: {  	_ =	swait.ge [sflag:s2], $0x1000  }
0x100: {  	[sflag:s2] =	ssyncset.done $0x0  }
0x101: {  	[sflag:s2] =	ssyncadd.s32 $0xFFFFF000  }
0x102: {  	_ =	swait.ge [sflag:s2], $0x1000  }
0x103: {  	[sflag:s2] =	ssyncset.done $0x0  }
0x104: {  	[sflag:s2] =	ssyncadd.s32 $0xFFFFF000  }
0x105: {  	_ =	swait.ge [sflag:s2], $0x1000  }
0x106: {  	[sflag:s2] =	ssyncset.done $0x0  }
0x107: {  	[sflag:s2] =	ssyncadd.s32 $0xFFFFF000  }
0x108: {  	_ =	sfence.sel $0x180000  }
0x109: {  	[bflag:$0x0] =	sbarrier.arrive $0xFFFF  }
0x10a: {  	_ =	strace $0x90000047  }
0x10b: {  	s31 =	stileid.u32;
	[bflag:$0x2] =	sbarrier.arrive $0xFFFF  }
0x10c: {  	p0 =	sne.s32 s31, $0x0;
	s0 =	rddreg [dreg:$0x5]  }
0x10d: {  	s0 =	sadd.s32 @!p0 $0x100000, s0  }
0x10e: {  	[sflag:s0] =	ssyncadd.tile.s32 @!p0 $0x1;
	_ =	shalt  }
.LBB2_1:
.Ltmp3:
0x10f: {  	(pc) =	sbr.rel .LBB2_6-.Ltmp3, $3  }
0x110: {  	_ =	sdelay $0x1  }
0x111: {  	s26 =	simm.s32 $0xE0;
	s31 =	simm.s32 $0x60  }
0x112: {  	s30 =	simm.s32 $0xC0;
	s29 =	simm.s32 $0x40;
	s28 =	simm.s32 $0xA0  }
.LBB2_3:
.Ltmp4:
0x113: {  	(pc) =	sbr.rel .LBB2_6-.Ltmp4, $3  }
0x114: {  	_ =	sdelay $0x1  }
0x115: {  	s26 =	simm.s32 $0xE0;
	s31 =	simm.s32 $0x60  }
0x116: {  	s30 =	simm.s32 $0xC0;
	s29 =	simm.s32 $0x40;
	s28 =	simm.s32 $0xA0  }
.Lfunc_end2:
_tile_overlayer_lowered:
.L_overlay_start_2:
0x117: {  	(tag) =	ssettag $0x2  }
0x118: {  	s0 =	rddreg [dreg:$0x0];
	s2 =	stileid.u32  }
0x119: {  	s1 =	rddreg [dreg:$0x1];
	p0 =	sne.s32 s2, $0x0  }
0x11a: {  	s3 =	rddreg [dreg:$0x2];
	[bflag:$0x3] =	sbarrier.arrive $0xFFFF;
	s2 =	simm.s32 @!p0 $0x1C03  }
0x11b: {  	[timem:s3], [sflag:s2] =	dma.local @!p0 [hbm:s0], s1  }
0x11c: {  	s0 =	simm.s32 @!p0 $0x3  }
0x11d: {  	_ =	swait.ge @!p0 [sflag:s0], s1  }
0x11e: {  	s1 =	ssub.s32 @!p0 $0x0, s1;
	[sflag:s0] =	ssyncset.done @!p0 $0x0  }
0x11f: {  	[sflag:s0] =	ssyncadd.s32 @!p0 s1  }
0x120: {  	[bflag:$0x3] =	sbarrier.arrive $0xFFFF  }
0x121: {  	_ =	shalt  }

</sc_bundles>
